<compile_context>
chip_gen: v7x
topology: tpu7x:2x2x1
jax: 0.10.2.dev20260603
libtpu: 0.0.44.dev20260713+nightly
codegen_flags: <defaults>
</compile_context>

<pallas_src>
import functools

import jax
import jax.numpy as jnp
from jax import lax
from jax.experimental import pallas as pl
from jax.experimental.pallas import tpu as pltpu
from jax.experimental.pallas import tpu_sc as plsc

BATCH = 4096
D_IN = 4096
K_RAW = 7000
KP = 7040
CD = 32
NQ = 3
BM = 256
GRID = BATCH // BM

_SC_NC = 2
_SC_NS = 16
_NW = _SC_NC * _SC_NS
_BPW = BATCH // _NW


def _vq_argmin(r, cbt2):
    lane1 = lax.broadcasted_iota(jnp.int32, (1, KP), 1)
    lane2 = lax.broadcasted_iota(jnp.int32, (BM, KP), 1)
    n = jnp.sum(cbt2 * cbt2, axis=0, keepdims=True) * jnp.float32(0.25)
    n = jnp.where(lane1 < K_RAW, n, jnp.float32(1e30))
    c = jnp.sum(r * r, axis=-1, keepdims=True)
    m2 = jnp.dot(r, cbt2, preferred_element_type=jnp.float32)
    dist = (c + m2) + n
    return jnp.argmin(dist, axis=-1).astype(jnp.int32)


def _acc_loss(loss_ref, i, s):
    li = lax.broadcasted_iota(jnp.int32, (8, 128), 1)
    part = jnp.where(li == 0, s, 0.0)

    @pl.when(i == 0)
    def _init():
        loss_ref[...] = jnp.zeros_like(loss_ref)

    loss_ref[...] += part


def _enc_body(x_ref, w0, b0, w1, b1, w2, b2, cbt2_ref, z_ref, idx_ref):
    x = x_ref[...]
    h = jnp.maximum(jnp.dot(x, w0[...], preferred_element_type=jnp.float32) + b0[...], 0.0)
    h = jnp.maximum(jnp.dot(h, w1[...], preferred_element_type=jnp.float32) + b1[...], 0.0)
    z = jnp.dot(h, w2[...], preferred_element_type=jnp.float32) + b2[...]
    z_ref[...] = z
    idx_ref[...] = _vq_argmin(z, cbt2_ref[...])


def _step_body(r_ref, qv_ref, cbt2_ref, rn_ref, idx_ref, loss_ref):
    r = r_ref[...] - qv_ref[:, :CD]
    rn_ref[...] = r
    idx_ref[...] = _vq_argmin(r, cbt2_ref[...])
    _acc_loss(loss_ref, pl.program_id(0), jnp.sum(r * r))


def _fin_body(z_ref, q0_ref, q1_ref, q2_ref, dw0, db0, dw1, db1, dw2, db2,
              recon_ref, loss_ref):
    z = z_ref[...]
    q0, q1, q2 = q0_ref[:, :CD], q1_ref[:, :CD], q2_ref[:, :CD]
    r1 = z - q0
    r2 = r1 - q1
    r3 = r2 - q2
    qst0 = z + (q0 - z)
    qst1 = r1 + (q1 - r1)
    qst2 = r2 + (q2 - r2)
    zq = (qst0 + qst1) + qst2
    g = jnp.maximum(jnp.dot(zq, dw0[...], preferred_element_type=jnp.float32) + db0[...], 0.0)
    g = jnp.maximum(jnp.dot(g, dw1[...], preferred_element_type=jnp.float32) + db1[...], 0.0)
    recon_ref[...] = jnp.dot(g, dw2[...], preferred_element_type=jnp.float32) + db2[...]
    _acc_loss(loss_ref, pl.program_id(0), jnp.sum(r3 * r3))


def _sc_gather(table, idx):
    mesh = plsc.VectorSubcoreMesh(core_axis_name="c", subcore_axis_name="s")

    @functools.partial(
        pl.kernel,
        out_type=jax.ShapeDtypeStruct((BATCH, 128), jnp.float32),
        mesh=mesh,
        scratch_types=[
            pltpu.VMEM((_BPW,), jnp.int32),
            pltpu.VMEM((_BPW, 128), jnp.float32),
            pltpu.SemaphoreType.DMA,
        ],
    )
    def k(table_hbm, idx_hbm, out_hbm, idx_v, rows_v, sem):
        wid = lax.axis_index("s") * _SC_NC + lax.axis_index("c")
        base = wid * _BPW
        pltpu.sync_copy(idx_hbm.at[pl.ds(base, _BPW)], idx_v)
        pltpu.async_copy(table_hbm.at[idx_v], rows_v, sem).wait()
        pltpu.sync_copy(rows_v, out_hbm.at[pl.ds(base, _BPW)])

    return k(table, idx)


def kernel(x, enc_W0, enc_b0, enc_W1, enc_b1, enc_W2, enc_b2,
           dec_W0, dec_b0, dec_W1, dec_b1, dec_W2, dec_b2, codebooks):
    cb_pad = jnp.pad(codebooks, ((0, 0), (0, KP - K_RAW), (0, 0)))
    cbt2 = jnp.transpose(cb_pad, (0, 2, 1)) * jnp.float32(-2.0)
    cb_sc = jnp.pad(codebooks, ((0, 0), (0, 0), (0, 128 - CD)))
    row = lambda v: v.reshape(1, -1)
    full = lambda a: pl.BlockSpec(a.shape, lambda i: (0,) * a.ndim)
    rows_spec = pl.BlockSpec((BM, D_IN), lambda i: (i, 0))
    small_spec = pl.BlockSpec((BM, CD), lambda i: (i, 0))
    gat_spec = pl.BlockSpec((BM, 128), lambda i: (i, 0))
    idx_spec = pl.BlockSpec((BM,), lambda i: (i,))
    loss_spec = pl.BlockSpec((8, 128), lambda i: (0, 0))
    small_shape = jax.ShapeDtypeStruct((BATCH, CD), jnp.float32)
    idx_shape = jax.ShapeDtypeStruct((BATCH,), jnp.int32)
    loss_shape = jax.ShapeDtypeStruct((8, 128), jnp.float32)

    enc_w = [enc_W0, row(enc_b0), enc_W1, row(enc_b1), enc_W2, row(enc_b2)]
    dec_w = [dec_W0, row(dec_b0), dec_W1, row(dec_b1), dec_W2, row(dec_b2)]

    z, i0 = pl.pallas_call(
        _enc_body, grid=(GRID,),
        in_specs=[rows_spec] + [full(w) for w in enc_w] + [full(cbt2[0])],
        out_specs=[small_spec, idx_spec],
        out_shape=[small_shape, idx_shape],
    )(x, *enc_w, cbt2[0])

    q0 = _sc_gather(cb_sc[0], i0)

    r1, i1, lb0 = pl.pallas_call(
        _step_body, grid=(GRID,),
        in_specs=[small_spec, gat_spec, full(cbt2[1])],
        out_specs=[small_spec, idx_spec, loss_spec],
        out_shape=[small_shape, idx_shape, loss_shape],
    )(z, q0, cbt2[1])

    q1 = _sc_gather(cb_sc[1], i1)

    r2, i2, lb1 = pl.pallas_call(
        _step_body, grid=(GRID,),
        in_specs=[small_spec, gat_spec, full(cbt2[2])],
        out_specs=[small_spec, idx_spec, loss_spec],
        out_shape=[small_shape, idx_shape, loss_shape],
    )(r1, q1, cbt2[2])

    q2 = _sc_gather(cb_sc[2], i2)

    recon, lb2 = pl.pallas_call(
        _fin_body, grid=(GRID,),
        in_specs=[small_spec, gat_spec, gat_spec, gat_spec] + [full(w) for w in dec_w],
        out_specs=[rows_spec, loss_spec],
        out_shape=[jax.ShapeDtypeStruct((BATCH, D_IN), jnp.float32), loss_shape],
    )(z, q0, q1, q2, *dec_w)

    indices = jnp.stack([i0, i1, i2], axis=-1)
    commit_loss = jnp.stack([lb0[0, 0], lb1[0, 0], lb2[0, 0]]) * jnp.float32(1.0 / (BATCH * CD))
    return recon, indices, commit_loss

# --- scband reference (transcript-rebuilt; emitter-appended) ---
"""Pipeline reference for scband-rqauto-encoder-38225208934990 (READ-ONLY COPY).

The authoritative reference and input builder live on the scoring server;
editing this copy changes nothing except your own understanding.
"""

import jax, jax.numpy as jnp
import numpy as np

DIMS = [4096, 512, 256, 32]
NUM_Q = 3
K = 7000
CODE_DIM = 32
BATCH = 4096


def setup_inputs(seed: int = 0) -> dict:
    key = jax.random.key(seed)
    ks = jax.random.split(key, 16)
    inp = {"x": jax.random.normal(ks[0], (BATCH, DIMS[0]), dtype=jnp.float32)}
    for i, (di, do) in enumerate(zip(DIMS[:-1], DIMS[1:])):
        inp[f"enc_W{i}"] = jax.random.normal(ks[1 + i], (di, do), dtype=jnp.float32) * (1.0 / np.sqrt(di))
        inp[f"enc_b{i}"] = jnp.zeros((do,), dtype=jnp.float32)
    rdims = DIMS[::-1]
    for i, (di, do) in enumerate(zip(rdims[:-1], rdims[1:])):
        inp[f"dec_W{i}"] = jax.random.normal(ks[6 + i], (di, do), dtype=jnp.float32) * (1.0 / np.sqrt(di))
        inp[f"dec_b{i}"] = jnp.zeros((do,), dtype=jnp.float32)
    inp["codebooks"] = jax.random.normal(ks[12], (NUM_Q, K, CODE_DIM), dtype=jnp.float32)
    return inp


def _mlp(x, Ws, bs):
    n = len(Ws)
    for i in range(n):
        x = x @ Ws[i] + bs[i]
        if i < n - 1:
            x = jax.nn.relu(x)
    return x


def _residual_vq(z, codebooks):
    residual = z
    quantized_out = jnp.zeros_like(z)
    all_idx = []
    all_loss = []
    for q in range(codebooks.shape[0]):
        cb = codebooks[q]
        dist = (jnp.sum(residual * residual, axis=-1, keepdims=True)
                - 2.0 * (residual @ cb.T)
                + jnp.sum(cb * cb, axis=-1)[None, :])
        idx = jnp.argmin(dist, axis=-1)
        quant = jnp.take(cb, idx, axis=0)
        loss = jnp.mean((jax.lax.stop_gradient(quant) - residual) ** 2)
        quant_st = residual + jax.lax.stop_gradient(quant - residual)
        residual = residual - jax.lax.stop_gradient(quant)
        quantized_out = quantized_out + quant_st
        all_idx.append(idx)
        all_loss.append(loss)
    return quantized_out, jnp.stack(all_idx, axis=-1), jnp.stack(all_loss)


def reference(x, enc_W0, enc_b0, enc_W1, enc_b1, enc_W2, enc_b2,
              dec_W0, dec_b0, dec_W1, dec_b1, dec_W2, dec_b2, codebooks):
    z = _mlp(x, [enc_W0, enc_W1, enc_W2], [enc_b0, enc_b1, enc_b2])
    zq, indices, commit_loss = _residual_vq(z, codebooks)
    recon = _mlp(zq, [dec_W0, dec_W1, dec_W2], [dec_b0, dec_b1, dec_b2])
    return recon, indices, commit_loss

if __name__ == "__main__":
    import jax
    _d = setup_inputs()
    print(jax.jit(kernel)(*tuple(_d.values())))

</pallas_src>

<mosaic_0001>
#map = affine_map<(d0, d1) -> (0, 0)>
#map1 = affine_map<(d0, d1) -> (0)>
module attributes {stable_mosaic.version = 14 : i64} {
  func.func @k(%arg0: i32, %arg1: i32, %arg2: memref<7000x128xf32, #tpu.memory_space<hbm>>, %arg3: memref<4096xi32, #tpu.memory_space<hbm>>, %arg4: memref<4096x128xf32, #tpu.memory_space<hbm>>, %arg5: memref<128xi32, #tpu.memory_space<vmem>>, %arg6: memref<128x128xf32, #tpu.memory_space<vmem>>, %arg7: memref<!tpu.dma_semaphore, #tpu.memory_space<semaphore_mem>>) attributes {dimension_semantics = [#tpu.dimension_semantics<core_parallel>, #tpu.dimension_semantics<subcore_parallel>], iteration_bounds = array<i64: 2, 16>, scalar_prefetch = 0 : i64, scratch_operands = 3 : i64, tpu.core_type = #tpu.core_type<sc_vector_subcore>, window_params = [{transform_indices = #map}, {transform_indices = #map1}, {transform_indices = #map}]} {
    %mul3A = arith.constant 2 : i32
    %mul3A_0 = arith.muli %arg1, %mul3A : i32
    %add3A = arith.addi %mul3A_0, %arg0 : i32
    %mul3A_1 = arith.constant 128 : i32
    %mul3A_2 = arith.muli %add3A, %mul3A_1 : i32
    "tpu.region"() ({
      %run_scoped3A = tpu.sem_alloc : memref<!tpu.dma_semaphore, #tpu.memory_space<semaphore_mem>>
      %dma_start3A_7 = tpu.memref_slice %arg3[%mul3A_2] : memref<4096xi32, #tpu.memory_space<hbm>> -> memref<128xi32, #tpu.memory_space<hbm>>
      %dma_start3A_8 = tpu.memref_slice %arg3[%mul3A_2] : memref<4096xi32, #tpu.memory_space<hbm>> -> memref<128xi32, #tpu.memory_space<hbm>>
      tpu.enqueue_dma source(%dma_start3A_8 : memref<128xi32, #tpu.memory_space<hbm>>) target(%arg5 : memref<128xi32, #tpu.memory_space<vmem>>) target_semaphore(%run_scoped3A : memref<!tpu.dma_semaphore, #tpu.memory_space<semaphore_mem>>)
      %dma_wait3A_9 = tpu.memref_slice %arg3[%mul3A_2] : memref<4096xi32, #tpu.memory_space<hbm>> -> memref<128xi32, #tpu.memory_space<hbm>>
      %dma_wait3A_10 = tpu.memref_slice %arg3[%mul3A_2] : memref<4096xi32, #tpu.memory_space<hbm>> -> memref<128xi32, #tpu.memory_space<hbm>>
      tpu.wait_dma2 semaphore(%run_scoped3A : memref<!tpu.dma_semaphore, #tpu.memory_space<semaphore_mem>>) src(%dma_wait3A_10 : memref<128xi32, #tpu.memory_space<hbm>>) dst(%arg5 : memref<128xi32, #tpu.memory_space<vmem>>)
      tpu.yield
    }) : () -> ()
    %dma_start3A = arith.constant 0 : i32
    %dma_start3A_3 = arith.constant 0 : i32
    %dma_start3A_4 = tpu.memref_slice %arg2[%dma_start3A, %dma_start3A_3] : memref<7000x128xf32, #tpu.memory_space<hbm>> -> memref<7000x128xf32, #tpu.memory_space<hbm>>
    tpu.enqueue_indirect_dma source(%dma_start3A_4 : memref<7000x128xf32, #tpu.memory_space<hbm>>) target(%arg6 : memref<128x128xf32, #tpu.memory_space<vmem>>) offsets(%arg5 : memref<128xi32, #tpu.memory_space<vmem>>) semaphore(%arg7 : memref<!tpu.dma_semaphore, #tpu.memory_space<semaphore_mem>>)
    %dma_wait3A = arith.constant 0 : i32
    %dma_wait3A_5 = arith.constant 0 : i32
    %dma_wait3A_6 = tpu.memref_slice %arg2[%dma_wait3A, %dma_wait3A_5] : memref<7000x128xf32, #tpu.memory_space<hbm>> -> memref<7000x128xf32, #tpu.memory_space<hbm>>
    tpu.wait_indirect_dma semaphore(%arg7 : memref<!tpu.dma_semaphore, #tpu.memory_space<semaphore_mem>>) src(%dma_wait3A_6 : memref<7000x128xf32, #tpu.memory_space<hbm>>) dst(%arg6 : memref<128x128xf32, #tpu.memory_space<vmem>>)
    "tpu.region"() ({
      %run_scoped3A = tpu.sem_alloc : memref<!tpu.dma_semaphore, #tpu.memory_space<semaphore_mem>>
      %dma_start3A_7 = arith.constant 0 : i32
      %dma_start3A_8 = tpu.memref_slice %arg4[%mul3A_2, %dma_start3A_7] : memref<4096x128xf32, #tpu.memory_space<hbm>> -> memref<128x128xf32, #tpu.memory_space<hbm>>
      %dma_start3A_9 = arith.constant 0 : i32
      %dma_start3A_10 = tpu.memref_slice %arg4[%mul3A_2, %dma_start3A_9] : memref<4096x128xf32, #tpu.memory_space<hbm>> -> memref<128x128xf32, #tpu.memory_space<hbm>>
      tpu.enqueue_dma source(%arg6 : memref<128x128xf32, #tpu.memory_space<vmem>>) target(%dma_start3A_10 : memref<128x128xf32, #tpu.memory_space<hbm>>) target_semaphore(%run_scoped3A : memref<!tpu.dma_semaphore, #tpu.memory_space<semaphore_mem>>)
      %dma_wait3A_11 = arith.constant 0 : i32
      %dma_wait3A_12 = tpu.memref_slice %arg4[%mul3A_2, %dma_wait3A_11] : memref<4096x128xf32, #tpu.memory_space<hbm>> -> memref<128x128xf32, #tpu.memory_space<hbm>>
      %dma_wait3A_13 = arith.constant 0 : i32
      %dma_wait3A_14 = tpu.memref_slice %arg4[%mul3A_2, %dma_wait3A_13] : memref<4096x128xf32, #tpu.memory_space<hbm>> -> memref<128x128xf32, #tpu.memory_space<hbm>>
      tpu.wait_dma2 semaphore(%run_scoped3A : memref<!tpu.dma_semaphore, #tpu.memory_space<semaphore_mem>>) src(%arg6 : memref<128x128xf32, #tpu.memory_space<vmem>>) dst(%dma_wait3A_14 : memref<128x128xf32, #tpu.memory_space<hbm>>)
      tpu.yield
    }) : () -> ()
    return
  }
}

#map = affine_map<(d0, d1) -> (0, 0)>
#map1 = affine_map<(d0, d1) -> (0)>
module attributes {stable_mosaic.version = 14 : i64} {
  func.func @k(%arg0: i32, %arg1: i32, %arg2: memref<7000x128xf32, #tpu.memory_space<hbm>>, %arg3: memref<4096xi32, #tpu.memory_space<hbm>>, %arg4: memref<4096x128xf32, #tpu.memory_space<hbm>>, %arg5: memref<128xi32, #tpu.memory_space<vmem>>, %arg6: memref<128x128xf32, #tpu.memory_space<vmem>>, %arg7: memref<!tpu.dma_semaphore, #tpu.memory_space<semaphore_mem>>) attributes {dimension_semantics = [#tpu.dimension_semantics<core_parallel>, #tpu.dimension_semantics<subcore_parallel>], iteration_bounds = array<i64: 2, 16>, scalar_prefetch = 0 : i64, scratch_operands = 3 : i64, tpu.core_type = #tpu.core_type<sc_vector_subcore>, window_params = [{transform_indices = #map}, {transform_indices = #map1}, {transform_indices = #map}]} {
    %mul3A = arith.constant 2 : i32
    %mul3A_0 = arith.muli %arg1, %mul3A : i32
    %add3A = arith.addi %mul3A_0, %arg0 : i32
    %mul3A_1 = arith.constant 128 : i32
    %mul3A_2 = arith.muli %add3A, %mul3A_1 : i32
    "tpu.region"() ({
      %run_scoped3A = tpu.sem_alloc : memref<!tpu.dma_semaphore, #tpu.memory_space<semaphore_mem>>
      %dma_start3A_7 = tpu.memref_slice %arg3[%mul3A_2] : memref<4096xi32, #tpu.memory_space<hbm>> -> memref<128xi32, #tpu.memory_space<hbm>>
      %dma_start3A_8 = tpu.memref_slice %arg3[%mul3A_2] : memref<4096xi32, #tpu.memory_space<hbm>> -> memref<128xi32, #tpu.memory_space<hbm>>
      tpu.enqueue_dma source(%dma_start3A_8 : memref<128xi32, #tpu.memory_space<hbm>>) target(%arg5 : memref<128xi32, #tpu.memory_space<vmem>>) target_semaphore(%run_scoped3A : memref<!tpu.dma_semaphore, #tpu.memory_space<semaphore_mem>>)
      %dma_wait3A_9 = tpu.memref_slice %arg3[%mul3A_2] : memref<4096xi32, #tpu.memory_space<hbm>> -> memref<128xi32, #tpu.memory_space<hbm>>
      %dma_wait3A_10 = tpu.memref_slice %arg3[%mul3A_2] : memref<4096xi32, #tpu.memory_space<hbm>> -> memref<128xi32, #tpu.memory_space<hbm>>
      tpu.wait_dma2 semaphore(%run_scoped3A : memref<!tpu.dma_semaphore, #tpu.memory_space<semaphore_mem>>) src(%dma_wait3A_10 : memref<128xi32, #tpu.memory_space<hbm>>) dst(%arg5 : memref<128xi32, #tpu.memory_space<vmem>>)
      tpu.yield
    }) : () -> ()
    %dma_start3A = arith.constant 0 : i32
    %dma_start3A_3 = arith.constant 0 : i32
    %dma_start3A_4 = tpu.memref_slice %arg2[%dma_start3A, %dma_start3A_3] : memref<7000x128xf32, #tpu.memory_space<hbm>> -> memref<7000x128xf32, #tpu.memory_space<hbm>>
    tpu.enqueue_indirect_dma source(%dma_start3A_4 : memref<7000x128xf32, #tpu.memory_space<hbm>>) target(%arg6 : memref<128x128xf32, #tpu.memory_space<vmem>>) offsets(%arg5 : memref<128xi32, #tpu.memory_space<vmem>>) semaphore(%arg7 : memref<!tpu.dma_semaphore, #tpu.memory_space<semaphore_mem>>)
    %dma_wait3A = arith.constant 0 : i32
    %dma_wait3A_5 = arith.constant 0 : i32
    %dma_wait3A_6 = tpu.memref_slice %arg2[%dma_wait3A, %dma_wait3A_5] : memref<7000x128xf32, #tpu.memory_space<hbm>> -> memref<7000x128xf32, #tpu.memory_space<hbm>>
    tpu.wait_indirect_dma semaphore(%arg7 : memref<!tpu.dma_semaphore, #tpu.memory_space<semaphore_mem>>) src(%dma_wait3A_6 : memref<7000x128xf32, #tpu.memory_space<hbm>>) dst(%arg6 : memref<128x128xf32, #tpu.memory_space<vmem>>)
    "tpu.region"() ({
      %run_scoped3A = tpu.sem_alloc : memref<!tpu.dma_semaphore, #tpu.memory_space<semaphore_mem>>
      %dma_start3A_7 = arith.constant 0 : i32
      %dma_start3A_8 = tpu.memref_slice %arg4[%mul3A_2, %dma_start3A_7] : memref<4096x128xf32, #tpu.memory_space<hbm>> -> memref<128x128xf32, #tpu.memory_space<hbm>>
      %dma_start3A_9 = arith.constant 0 : i32
      %dma_start3A_10 = tpu.memref_slice %arg4[%mul3A_2, %dma_start3A_9] : memref<4096x128xf32, #tpu.memory_space<hbm>> -> memref<128x128xf32, #tpu.memory_space<hbm>>
      tpu.enqueue_dma source(%arg6 : memref<128x128xf32, #tpu.memory_space<vmem>>) target(%dma_start3A_10 : memref<128x128xf32, #tpu.memory_space<hbm>>) target_semaphore(%run_scoped3A : memref<!tpu.dma_semaphore, #tpu.memory_space<semaphore_mem>>)
      %dma_wait3A_11 = arith.constant 0 : i32
      %dma_wait3A_12 = tpu.memref_slice %arg4[%mul3A_2, %dma_wait3A_11] : memref<4096x128xf32, #tpu.memory_space<hbm>> -> memref<128x128xf32, #tpu.memory_space<hbm>>
      %dma_wait3A_13 = arith.constant 0 : i32
      %dma_wait3A_14 = tpu.memref_slice %arg4[%mul3A_2, %dma_wait3A_13] : memref<4096x128xf32, #tpu.memory_space<hbm>> -> memref<128x128xf32, #tpu.memory_space<hbm>>
      tpu.wait_dma2 semaphore(%run_scoped3A : memref<!tpu.dma_semaphore, #tpu.memory_space<semaphore_mem>>) src(%arg6 : memref<128x128xf32, #tpu.memory_space<vmem>>) dst(%dma_wait3A_14 : memref<128x128xf32, #tpu.memory_space<hbm>>)
      tpu.yield
    }) : () -> ()
    return
  }
}

#map = affine_map<(d0, d1) -> (0, 0)>
#map1 = affine_map<(d0, d1) -> (0)>
module attributes {stable_mosaic.version = 14 : i64} {
  func.func @k(%arg0: i32, %arg1: i32, %arg2: memref<7000x128xf32, #tpu.memory_space<hbm>>, %arg3: memref<4096xi32, #tpu.memory_space<hbm>>, %arg4: memref<4096x128xf32, #tpu.memory_space<hbm>>, %arg5: memref<128xi32, #tpu.memory_space<vmem>>, %arg6: memref<128x128xf32, #tpu.memory_space<vmem>>, %arg7: memref<!tpu.dma_semaphore, #tpu.memory_space<semaphore_mem>>) attributes {dimension_semantics = [#tpu.dimension_semantics<core_parallel>, #tpu.dimension_semantics<subcore_parallel>], iteration_bounds = array<i64: 2, 16>, scalar_prefetch = 0 : i64, scratch_operands = 3 : i64, tpu.core_type = #tpu.core_type<sc_vector_subcore>, window_params = [{transform_indices = #map}, {transform_indices = #map1}, {transform_indices = #map}]} {
    %mul3A = arith.constant 2 : i32
    %mul3A_0 = arith.muli %arg1, %mul3A : i32
    %add3A = arith.addi %mul3A_0, %arg0 : i32
    %mul3A_1 = arith.constant 128 : i32
    %mul3A_2 = arith.muli %add3A, %mul3A_1 : i32
    "tpu.region"() ({
      %run_scoped3A = tpu.sem_alloc : memref<!tpu.dma_semaphore, #tpu.memory_space<semaphore_mem>>
      %dma_start3A_7 = tpu.memref_slice %arg3[%mul3A_2] : memref<4096xi32, #tpu.memory_space<hbm>> -> memref<128xi32, #tpu.memory_space<hbm>>
      %dma_start3A_8 = tpu.memref_slice %arg3[%mul3A_2] : memref<4096xi32, #tpu.memory_space<hbm>> -> memref<128xi32, #tpu.memory_space<hbm>>
      tpu.enqueue_dma source(%dma_start3A_8 : memref<128xi32, #tpu.memory_space<hbm>>) target(%arg5 : memref<128xi32, #tpu.memory_space<vmem>>) target_semaphore(%run_scoped3A : memref<!tpu.dma_semaphore, #tpu.memory_space<semaphore_mem>>)
      %dma_wait3A_9 = tpu.memref_slice %arg3[%mul3A_2] : memref<4096xi32, #tpu.memory_space<hbm>> -> memref<128xi32, #tpu.memory_space<hbm>>
      %dma_wait3A_10 = tpu.memref_slice %arg3[%mul3A_2] : memref<4096xi32, #tpu.memory_space<hbm>> -> memref<128xi32, #tpu.memory_space<hbm>>
      tpu.wait_dma2 semaphore(%run_scoped3A : memref<!tpu.dma_semaphore, #tpu.memory_space<semaphore_mem>>) src(%dma_wait3A_10 : memref<128xi32, #tpu.memory_space<hbm>>) dst(%arg5 : memref<128xi32, #tpu.memory_space<vmem>>)
      tpu.yield
    }) : () -> ()
    %dma_start3A = arith.constant 0 : i32
    %dma_start3A_3 = arith.constant 0 : i32
    %dma_start3A_4 = tpu.memref_slice %arg2[%dma_start3A, %dma_start3A_3] : memref<7000x128xf32, #tpu.memory_space<hbm>> -> memref<7000x128xf32, #tpu.memory_space<hbm>>
    tpu.enqueue_indirect_dma source(%dma_start3A_4 : memref<7000x128xf32, #tpu.memory_space<hbm>>) target(%arg6 : memref<128x128xf32, #tpu.memory_space<vmem>>) offsets(%arg5 : memref<128xi32, #tpu.memory_space<vmem>>) semaphore(%arg7 : memref<!tpu.dma_semaphore, #tpu.memory_space<semaphore_mem>>)
    %dma_wait3A = arith.constant 0 : i32
    %dma_wait3A_5 = arith.constant 0 : i32
    %dma_wait3A_6 = tpu.memref_slice %arg2[%dma_wait3A, %dma_wait3A_5] : memref<7000x128xf32, #tpu.memory_space<hbm>> -> memref<7000x128xf32, #tpu.memory_space<hbm>>
    tpu.wait_indirect_dma semaphore(%arg7 : memref<!tpu.dma_semaphore, #tpu.memory_space<semaphore_mem>>) src(%dma_wait3A_6 : memref<7000x128xf32, #tpu.memory_space<hbm>>) dst(%arg6 : memref<128x128xf32, #tpu.memory_space<vmem>>)
    "tpu.region"() ({
      %run_scoped3A = tpu.sem_alloc : memref<!tpu.dma_semaphore, #tpu.memory_space<semaphore_mem>>
      %dma_start3A_7 = arith.constant 0 : i32
      %dma_start3A_8 = tpu.memref_slice %arg4[%mul3A_2, %dma_start3A_7] : memref<4096x128xf32, #tpu.memory_space<hbm>> -> memref<128x128xf32, #tpu.memory_space<hbm>>
      %dma_start3A_9 = arith.constant 0 : i32
      %dma_start3A_10 = tpu.memref_slice %arg4[%mul3A_2, %dma_start3A_9] : memref<4096x128xf32, #tpu.memory_space<hbm>> -> memref<128x128xf32, #tpu.memory_space<hbm>>
      tpu.enqueue_dma source(%arg6 : memref<128x128xf32, #tpu.memory_space<vmem>>) target(%dma_start3A_10 : memref<128x128xf32, #tpu.memory_space<hbm>>) target_semaphore(%run_scoped3A : memref<!tpu.dma_semaphore, #tpu.memory_space<semaphore_mem>>)
      %dma_wait3A_11 = arith.constant 0 : i32
      %dma_wait3A_12 = tpu.memref_slice %arg4[%mul3A_2, %dma_wait3A_11] : memref<4096x128xf32, #tpu.memory_space<hbm>> -> memref<128x128xf32, #tpu.memory_space<hbm>>
      %dma_wait3A_13 = arith.constant 0 : i32
      %dma_wait3A_14 = tpu.memref_slice %arg4[%mul3A_2, %dma_wait3A_13] : memref<4096x128xf32, #tpu.memory_space<hbm>> -> memref<128x128xf32, #tpu.memory_space<hbm>>
      tpu.wait_dma2 semaphore(%run_scoped3A : memref<!tpu.dma_semaphore, #tpu.memory_space<semaphore_mem>>) src(%arg6 : memref<128x128xf32, #tpu.memory_space<vmem>>) dst(%dma_wait3A_14 : memref<128x128xf32, #tpu.memory_space<hbm>>)
      tpu.yield
    }) : () -> ()
    return
  }
}

module attributes {stable_mosaic.version = 14 : i64} {
  func.func @_enc_body(%arg0: i32, %arg1: memref<256x4096xf32, #tpu.memory_space<vmem>>, %arg2: memref<4096x512xf32, #tpu.memory_space<vmem>>, %arg3: memref<1x512xf32, #tpu.memory_space<vmem>>, %arg4: memref<512x256xf32, #tpu.memory_space<vmem>>, %arg5: memref<1x256xf32, #tpu.memory_space<vmem>>, %arg6: memref<256x32xf32, #tpu.memory_space<vmem>>, %arg7: memref<1x32xf32, #tpu.memory_space<vmem>>, %arg8: memref<32x7040xf32, #tpu.memory_space<vmem>>, %arg9: memref<256x32xf32, #tpu.memory_space<vmem>>, %arg10: memref<256xi32, #tpu.memory_space<vmem>>) attributes {dimension_semantics = [#tpu.dimension_semantics<arbitrary>], iteration_bounds = array<i64: 16>, scalar_prefetch = 0 : i64, scratch_operands = 0 : i64, tpu.core_type = #tpu.core_type<tc>, window_params = [{transform_indices = @transform_0, window_bounds = array<i64: 256, 4096>}, {pipeline_mode = #tpu.pipeline_mode<synchronous>, transform_indices = @transform_1, window_bounds = array<i64: 4096, 512>}, {pipeline_mode = #tpu.pipeline_mode<synchronous>, transform_indices = @transform_2, window_bounds = array<i64: 1, 512>}, {pipeline_mode = #tpu.pipeline_mode<synchronous>, transform_indices = @transform_3, window_bounds = array<i64: 512, 256>}, {pipeline_mode = #tpu.pipeline_mode<synchronous>, transform_indices = @transform_4, window_bounds = array<i64: 1, 256>}, {pipeline_mode = #tpu.pipeline_mode<synchronous>, transform_indices = @transform_5, window_bounds = array<i64: 256, 32>}, {pipeline_mode = #tpu.pipeline_mode<synchronous>, transform_indices = @transform_6, window_bounds = array<i64: 1, 32>}, {pipeline_mode = #tpu.pipeline_mode<synchronous>, transform_indices = @transform_7, window_bounds = array<i64: 32, 7040>}, {transform_indices = @transform_8, window_bounds = array<i64: 256, 32>}, {transform_indices = @transform_9, window_bounds = array<i64: 256>}]} {
    %get3A = arith.constant 0 : index
    %get3A_0 = arith.constant 0 : index
    %get3A_1 = vector.load %arg1[%get3A, %get3A_0] : memref<256x4096xf32, #tpu.memory_space<vmem>>, vector<256x4096xf32>
    %get3A_2 = arith.constant 0 : index
    %get3A_3 = arith.constant 0 : index
    %get3A_4 = vector.load %arg2[%get3A_2, %get3A_3] : memref<4096x512xf32, #tpu.memory_space<vmem>>, vector<4096x512xf32>
    %dot_general3A = arith.constant dense<0.000000e+00> : vector<256x512xf32>
    %dot_general3A_5 = tpu.matmul %get3A_1, %get3A_4, %dot_general3A {dimension_numbers = #tpu.dot_dimension_numbers<[1], [0], [0], [1], [0, 0, 1, 1], [], []>, transpose_lhs_hint = false} : vector<256x4096xf32>, vector<4096x512xf32>, vector<256x512xf32> -> vector<256x512xf32>
    %get3A_6 = arith.constant 0 : index
    %get3A_7 = arith.constant 0 : index
    %get3A_8 = vector.load %arg3[%get3A_6, %get3A_7] : memref<1x512xf32, #tpu.memory_space<vmem>>, vector<1x512xf32>
    %add3A = vector.broadcast %get3A_8 : vector<1x512xf32> to vector<256x512xf32>
    %add3A_9 = arith.addf %dot_general3A_5, %add3A : vector<256x512xf32>
    %max3A = arith.constant 0.000000e+00 : f32
    %max3A_10 = vector.broadcast %max3A : f32 to vector<256x512xf32>
    %max3A_11 = arith.maximumf %add3A_9, %max3A_10 : vector<256x512xf32>
    %get3A_12 = arith.constant 0 : index
    %get3A_13 = arith.constant 0 : index
    %get3A_14 = vector.load %arg4[%get3A_12, %get3A_13] : memref<512x256xf32, #tpu.memory_space<vmem>>, vector<512x256xf32>
    %dot_general3A_15 = arith.constant dense<0.000000e+00> : vector<256x256xf32>
    %dot_general3A_16 = tpu.matmul %max3A_11, %get3A_14, %dot_general3A_15 {dimension_numbers = #tpu.dot_dimension_numbers<[1], [0], [0], [1], [0, 0, 1, 1], [], []>, transpose_lhs_hint = false} : vector<256x512xf32>, vector<512x256xf32>, vector<256x256xf32> -> vector<256x256xf32>
    %get3A_17 = arith.constant 0 : index
    %get3A_18 = arith.constant 0 : index
    %get3A_19 = vector.load %arg5[%get3A_17, %get3A_18] : memref<1x256xf32, #tpu.memory_space<vmem>>, vector<1x256xf32>
    %add3A_20 = vector.broadcast %get3A_19 : vector<1x256xf32> to vector<256x256xf32>
    %add3A_21 = arith.addf %dot_general3A_16, %add3A_20 : vector<256x256xf32>
    %max3A_22 = arith.constant 0.000000e+00 : f32
    %max3A_23 = vector.broadcast %max3A_22 : f32 to vector<256x256xf32>
    %max3A_24 = arith.maximumf %add3A_21, %max3A_23 : vector<256x256xf32>
    %get3A_25 = arith.constant 0 : index
    %get3A_26 = arith.constant 0 : index
    %get3A_27 = vector.load %arg6[%get3A_25, %get3A_26] : memref<256x32xf32, #tpu.memory_space<vmem>>, vector<256x32xf32>
    %dot_general3A_28 = arith.constant dense<0.000000e+00> : vector<256x32xf32>
    %dot_general3A_29 = tpu.matmul %max3A_24, %get3A_27, %dot_general3A_28 {dimension_numbers = #tpu.dot_dimension_numbers<[1], [0], [0], [1], [0, 0, 1, 1], [], []>, transpose_lhs_hint = false} : vector<256x256xf32>, vector<256x32xf32>, vector<256x32xf32> -> vector<256x32xf32>
    %get3A_30 = arith.constant 0 : index
    %get3A_31 = arith.constant 0 : index
    %get3A_32 = vector.load %arg7[%get3A_30, %get3A_31] : memref<1x32xf32, #tpu.memory_space<vmem>>, vector<1x32xf32>
    %add3A_33 = vector.broadcast %get3A_32 : vector<1x32xf32> to vector<256x32xf32>
    %add3A_34 = arith.addf %dot_general3A_29, %add3A_33 : vector<256x32xf32>
    %swap3A = arith.constant 0 : index
    %swap3A_35 = arith.constant 0 : index
    %swap3A_36 = vector.load %arg9[%swap3A, %swap3A_35] : memref<256x32xf32, #tpu.memory_space<vmem>>, vector<256x32xf32>
    tpu.vector_store %arg9[%swap3A, %swap3A_35], %add3A_34 {strides = array<i32>} : memref<256x32xf32, #tpu.memory_space<vmem>>, vector<256x32xf32>,
    %get3A_37 = arith.constant 0 : index
    %get3A_38 = arith.constant 0 : index
    %get3A_39 = vector.load %arg8[%get3A_37, %get3A_38] : memref<32x7040xf32, #tpu.memory_space<vmem>>, vector<32x7040xf32>
    %iota3A = tpu.iota {dimensions = array<i32: 1>} : vector<1x7040xi32>
    %mul3A = arith.mulf %get3A_39, %get3A_39 : vector<32x7040xf32>
    %reduce_sum3A = arith.constant dense<0.000000e+00> : vector<7040xf32>
    %reduce_sum3A_40 = vector.multi_reduction <add>, %mul3A, %reduce_sum3A [0] : vector<32x7040xf32> to vector<7040xf32>
    %broadcast_in_dim3A = vector.shape_cast %reduce_sum3A_40 : vector<7040xf32> to vector<1x7040xf32>
    %mul3A_41 = arith.constant 2.500000e-01 : f32
    %mul3A_42 = vector.broadcast %mul3A_41 : f32 to vector<1x7040xf32>
    %mul3A_43 = arith.mulf %broadcast_in_dim3A, %mul3A_42 : vector<1x7040xf32>
    %lt3A = arith.constant 7000 : i32
    %lt3A_44 = vector.broadcast %lt3A : i32 to vector<1x7040xi32>
    %lt3A_45 = arith.cmpi slt, %iota3A, %lt3A_44 : vector<1x7040xi32>
    %jit3A = arith.constant 1.000000e+30 : f32
    %broadcast_in_dim3A_46 = vector.broadcast %jit3A : f32 to vector<1x7040xf32>
    %select_n3A = arith.select %lt3A_45, %mul3A_43, %broadcast_in_dim3A_46 : vector<1x7040xi1>, vector<1x7040xf32>
    %mul3A_47 = arith.mulf %add3A_34, %add3A_34 : vector<256x32xf32>
    %reduce_sum3A_48 = arith.constant dense<0.000000e+00> : vector<256xf32>
    %reduce_sum3A_49 = vector.multi_reduction <add>, %mul3A_47, %reduce_sum3A_48 [1] : vector<256x32xf32> to vector<256xf32>
    %broadcast_in_dim3A_50 = vector.shape_cast %reduce_sum3A_49 : vector<256xf32> to vector<256x1xf32>
    %dot_general3A_51 = arith.constant dense<0.000000e+00> : vector<256x7040xf32>
    %dot_general3A_52 = tpu.matmul %add3A_34, %get3A_39, %dot_general3A_51 {dimension_numbers = #tpu.dot_dimension_numbers<[1], [0], [0], [1], [0, 0, 1, 1], [], []>, transpose_lhs_hint = false} : vector<256x32xf32>, vector<32x7040xf32>, vector<256x7040xf32> -> vector<256x7040xf32>
    %add3A_53 = vector.broadcast %broadcast_in_dim3A_50 : vector<256x1xf32> to vector<256x7040xf32>
    %add3A_54 = arith.addf %add3A_53, %dot_general3A_52 : vector<256x7040xf32>
    %add3A_55 = vector.broadcast %select_n3A : vector<1x7040xf32> to vector<256x7040xf32>
    %add3A_56 = arith.addf %add3A_54, %add3A_55 : vector<256x7040xf32>
    %argmin3A = tpu.reduce_index %add3A_56 {axis = 1 : i32, kind = #tpu.reduction_kind<arg_min>} : vector<256x7040xf32> -> vector<256xi32>
    %swap3A_57 = arith.constant 0 : index
    %swap3A_58 = vector.load %arg10[%swap3A_57] : memref<256xi32, #tpu.memory_space<vmem>>, vector<256xi32>
    tpu.vector_store %arg10[%swap3A_57], %argmin3A {strides = array<i32>} : memref<256xi32, #tpu.memory_space<vmem>>, vector<256xi32>,
    return
  }
  func.func @transform_0(%arg0: i32) -> (i32, i32) {
    %c0_i32 = arith.constant 0 : i32
    %c0_i32_0 = arith.constant 0 : i32
    return %arg0, %c0_i32 : i32, i32
  }
  func.func @transform_1(%arg0: i32) -> (i32, i32) {
    %c0_i32 = arith.constant 0 : i32
    %c0_i32_0 = arith.constant 0 : i32
    %c0_i32_1 = arith.constant 0 : i32
    return %c0_i32, %c0_i32_0 : i32, i32
  }
  func.func @transform_2(%arg0: i32) -> (i32, i32) {
    %c0_i32 = arith.constant 0 : i32
    %c0_i32_0 = arith.constant 0 : i32
    %c0_i32_1 = arith.constant 0 : i32
    return %c0_i32, %c0_i32_0 : i32, i32
  }
  func.func @transform_3(%arg0: i32) -> (i32, i32) {
    %c0_i32 = arith.constant 0 : i32
    %c0_i32_0 = arith.constant 0 : i32
    %c0_i32_1 = arith.constant 0 : i32
    return %c0_i32, %c0_i32_0 : i32, i32
  }
  func.func @transform_4(%arg0: i32) -> (i32, i32) {
    %c0_i32 = arith.constant 0 : i32
    %c0_i32_0 = arith.constant 0 : i32
    %c0_i32_1 = arith.constant 0 : i32
    return %c0_i32, %c0_i32_0 : i32, i32
  }
  func.func @transform_5(%arg0: i32) -> (i32, i32) {
    %c0_i32 = arith.constant 0 : i32
    %c0_i32_0 = arith.constant 0 : i32
    %c0_i32_1 = arith.constant 0 : i32
    return %c0_i32, %c0_i32_0 : i32, i32
  }
  func.func @transform_6(%arg0: i32) -> (i32, i32) {
    %c0_i32 = arith.constant 0 : i32
    %c0_i32_0 = arith.constant 0 : i32
    %c0_i32_1 = arith.constant 0 : i32
    return %c0_i32, %c0_i32_0 : i32, i32
  }
  func.func @transform_7(%arg0: i32) -> (i32, i32) {
    %c0_i32 = arith.constant 0 : i32
    %c0_i32_0 = arith.constant 0 : i32
    %c0_i32_1 = arith.constant 0 : i32
    return %c0_i32, %c0_i32_0 : i32, i32
  }
  func.func @transform_8(%arg0: i32) -> (i32, i32) {
    %c0_i32 = arith.constant 0 : i32
    %c0_i32_0 = arith.constant 0 : i32
    return %arg0, %c0_i32 : i32, i32
  }
  func.func @transform_9(%arg0: i32) -> i32 {
    %c0_i32 = arith.constant 0 : i32
    return %arg0 : i32
  }
}

module attributes {stable_mosaic.version = 14 : i64} {
  func.func @_step_body(%arg0: i32, %arg1: memref<256x32xf32, #tpu.memory_space<vmem>>, %arg2: memref<256x128xf32, #tpu.memory_space<vmem>>, %arg3: memref<32x7040xf32, #tpu.memory_space<vmem>>, %arg4: memref<256x32xf32, #tpu.memory_space<vmem>>, %arg5: memref<256xi32, #tpu.memory_space<vmem>>, %arg6: memref<8x128xf32, #tpu.memory_space<vmem>>) attributes {dimension_semantics = [#tpu.dimension_semantics<arbitrary>], iteration_bounds = array<i64: 16>, scalar_prefetch = 0 : i64, scratch_operands = 0 : i64, tpu.core_type = #tpu.core_type<tc>, window_params = [{transform_indices = @transform_0, window_bounds = array<i64: 256, 32>}, {transform_indices = @transform_1, window_bounds = array<i64: 256, 128>}, {pipeline_mode = #tpu.pipeline_mode<synchronous>, transform_indices = @transform_2, window_bounds = array<i64: 32, 7040>}, {transform_indices = @transform_3, window_bounds = array<i64: 256, 32>}, {transform_indices = @transform_4, window_bounds = array<i64: 256>}, {pipeline_mode = #tpu.pipeline_mode<synchronous>, transform_indices = @transform_5, window_bounds = array<i64: 8, 128>}]} {
    %get3A = arith.constant 0 : index
    %get3A_0 = arith.constant 0 : index
    %get3A_1 = vector.load %arg1[%get3A, %get3A_0] : memref<256x32xf32, #tpu.memory_space<vmem>>, vector<256x32xf32>
    %get3A_2 = arith.constant 0 : index
    %get3A_3 = arith.constant 0 : index
    %get3A_4 = vector.load %arg2[%get3A_2, %get3A_3] : memref<256x128xf32, #tpu.memory_space<vmem>>, vector<256x32xf32>
    %sub3A = arith.subf %get3A_1, %get3A_4 : vector<256x32xf32>
    %swap3A = arith.constant 0 : index
    %swap3A_5 = arith.constant 0 : index
    %swap3A_6 = vector.load %arg4[%swap3A, %swap3A_5] : memref<256x32xf32, #tpu.memory_space<vmem>>, vector<256x32xf32>
    tpu.vector_store %arg4[%swap3A, %swap3A_5], %sub3A {strides = array<i32>} : memref<256x32xf32, #tpu.memory_space<vmem>>, vector<256x32xf32>,
    %get3A_7 = arith.constant 0 : index
    %get3A_8 = arith.constant 0 : index
    %get3A_9 = vector.load %arg3[%get3A_7, %get3A_8] : memref<32x7040xf32, #tpu.memory_space<vmem>>, vector<32x7040xf32>
    %iota3A = tpu.iota {dimensions = array<i32: 1>} : vector<1x7040xi32>
    %mul3A = arith.mulf %get3A_9, %get3A_9 : vector<32x7040xf32>
    %reduce_sum3A = arith.constant dense<0.000000e+00> : vector<7040xf32>
    %reduce_sum3A_10 = vector.multi_reduction <add>, %mul3A, %reduce_sum3A [0] : vector<32x7040xf32> to vector<7040xf32>
    %broadcast_in_dim3A = vector.shape_cast %reduce_sum3A_10 : vector<7040xf32> to vector<1x7040xf32>
    %mul3A_11 = arith.constant 2.500000e-01 : f32
    %mul3A_12 = vector.broadcast %mul3A_11 : f32 to vector<1x7040xf32>
    %mul3A_13 = arith.mulf %broadcast_in_dim3A, %mul3A_12 : vector<1x7040xf32>
    %lt3A = arith.constant 7000 : i32
    %lt3A_14 = vector.broadcast %lt3A : i32 to vector<1x7040xi32>
    %lt3A_15 = arith.cmpi slt, %iota3A, %lt3A_14 : vector<1x7040xi32>
    %jit3A = arith.constant 1.000000e+30 : f32
    %broadcast_in_dim3A_16 = vector.broadcast %jit3A : f32 to vector<1x7040xf32>
    %select_n3A = arith.select %lt3A_15, %mul3A_13, %broadcast_in_dim3A_16 : vector<1x7040xi1>, vector<1x7040xf32>
    %mul3A_17 = arith.mulf %sub3A, %sub3A : vector<256x32xf32>
    %reduce_sum3A_18 = arith.constant dense<0.000000e+00> : vector<256xf32>
    %reduce_sum3A_19 = vector.multi_reduction <add>, %mul3A_17, %reduce_sum3A_18 [1] : vector<256x32xf32> to vector<256xf32>
    %broadcast_in_dim3A_20 = vector.shape_cast %reduce_sum3A_19 : vector<256xf32> to vector<256x1xf32>
    %dot_general3A = arith.constant dense<0.000000e+00> : vector<256x7040xf32>
    %dot_general3A_21 = tpu.matmul %sub3A, %get3A_9, %dot_general3A {dimension_numbers = #tpu.dot_dimension_numbers<[1], [0], [0], [1], [0, 0, 1, 1], [], []>, transpose_lhs_hint = false} : vector<256x32xf32>, vector<32x7040xf32>, vector<256x7040xf32> -> vector<256x7040xf32>
    %add3A = vector.broadcast %broadcast_in_dim3A_20 : vector<256x1xf32> to vector<256x7040xf32>
    %add3A_22 = arith.addf %add3A, %dot_general3A_21 : vector<256x7040xf32>
    %add3A_23 = vector.broadcast %select_n3A : vector<1x7040xf32> to vector<256x7040xf32>
    %add3A_24 = arith.addf %add3A_22, %add3A_23 : vector<256x7040xf32>
    %argmin3A = tpu.reduce_index %add3A_24 {axis = 1 : i32, kind = #tpu.reduction_kind<arg_min>} : vector<256x7040xf32> -> vector<256xi32>
    %swap3A_25 = arith.constant 0 : index
    %swap3A_26 = vector.load %arg5[%swap3A_25] : memref<256xi32, #tpu.memory_space<vmem>>, vector<256xi32>
    tpu.vector_store %arg5[%swap3A_25], %argmin3A {strides = array<i32>} : memref<256xi32, #tpu.memory_space<vmem>>, vector<256xi32>,
    %mul3A_27 = arith.mulf %sub3A, %sub3A : vector<256x32xf32>
    %reduce_sum3A_28 = vector.shape_cast %mul3A_27 : vector<256x32xf32> to vector<1x256x32xf32>
    %reduce_sum3A_29 = arith.constant dense<0.000000e+00> : vector<1xf32>
    %reduce_sum3A_30 = vector.multi_reduction <add>, %reduce_sum3A_28, %reduce_sum3A_29 [1, 2] : vector<1x256x32xf32> to vector<1xf32>
    %reduce_sum3A_31 = vector.shape_cast %reduce_sum3A_30 : vector<1xf32> to vector<1x1x1xf32>
    %reduce_sum3A_32 = vector.extract %reduce_sum3A_31[0, 0, 0] : f32 from vector<1x1x1xf32>
    %iota3A_33 = tpu.iota {dimensions = array<i32: 1>} : vector<8x128xi32>
    %eq3A = arith.constant 0 : i32
    %eq3A_34 = vector.broadcast %eq3A : i32 to vector<8x128xi32>
    %eq3A_35 = arith.cmpi eq, %iota3A_33, %eq3A_34 : vector<8x128xi32>
    %jit3A_36 = arith.constant 0.000000e+00 : f32
    %broadcast_in_dim3A_37 = vector.broadcast %reduce_sum3A_32 : f32 to vector<8x128xf32>
    %broadcast_in_dim3A_38 = vector.broadcast %jit3A_36 : f32 to vector<8x128xf32>
    %select_n3A_39 = arith.select %eq3A_35, %broadcast_in_dim3A_37, %broadcast_in_dim3A_38 : vector<8x128xi1>, vector<8x128xf32>
    %eq3A_40 = arith.constant 0 : i32
    %eq3A_41 = arith.cmpi eq, %arg0, %eq3A_40 : i32
    %convert_element_type3A = arith.extui %eq3A_41 : i1 to i32
    %cond3A = arith.constant 0 : i32
    %cond3A_42 = arith.cmpi ne, %convert_element_type3A, %cond3A : i32
    scf.if %cond3A_42 {
      %broadcast_in_dim3A_50 = arith.constant 0.000000e+00 : f32
      %broadcast_in_dim3A_51 = vector.broadcast %broadcast_in_dim3A_50 : f32 to vector<8x128xf32>
      %swap3A_52 = arith.constant 0 : index
      %swap3A_53 = arith.constant 0 : index
      %swap3A_54 = vector.load %arg6[%swap3A_52, %swap3A_53] : memref<8x128xf32, #tpu.memory_space<vmem>>, vector<8x128xf32>
      tpu.vector_store %arg6[%swap3A_52, %swap3A_53], %broadcast_in_dim3A_51 {strides = array<i32>} : memref<8x128xf32, #tpu.memory_space<vmem>>, vector<8x128xf32>,
    } else {
    }
    %get3A_43 = arith.constant 0 : index
    %get3A_44 = arith.constant 0 : index
    %get3A_45 = vector.load %arg6[%get3A_43, %get3A_44] : memref<8x128xf32, #tpu.memory_space<vmem>>, vector<8x128xf32>
    %add3A_46 = arith.addf %get3A_45, %select_n3A_39 : vector<8x128xf32>
    %swap3A_47 = arith.constant 0 : index
    %swap3A_48 = arith.constant 0 : index
    %swap3A_49 = vector.load %arg6[%swap3A_47, %swap3A_48] : memref<8x128xf32, #tpu.memory_space<vmem>>, vector<8x128xf32>
    tpu.vector_store %arg6[%swap3A_47, %swap3A_48], %add3A_46 {strides = array<i32>} : memref<8x128xf32, #tpu.memory_space<vmem>>, vector<8x128xf32>,
    return
  }
  func.func @transform_0(%arg0: i32) -> (i32, i32) {
    %c0_i32 = arith.constant 0 : i32
    %c0_i32_0 = arith.constant 0 : i32
    return %arg0, %c0_i32 : i32, i32
  }
  func.func @transform_1(%arg0: i32) -> (i32, i32) {
    %c0_i32 = arith.constant 0 : i32
    %c0_i32_0 = arith.constant 0 : i32
    return %arg0, %c0_i32 : i32, i32
  }
  func.func @transform_2(%arg0: i32) -> (i32, i32) {
    %c0_i32 = arith.constant 0 : i32
    %c0_i32_0 = arith.constant 0 : i32
    %c0_i32_1 = arith.constant 0 : i32
    return %c0_i32, %c0_i32_0 : i32, i32
  }
  func.func @transform_3(%arg0: i32) -> (i32, i32) {
    %c0_i32 = arith.constant 0 : i32
    %c0_i32_0 = arith.constant 0 : i32
    return %arg0, %c0_i32 : i32, i32
  }
  func.func @transform_4(%arg0: i32) -> i32 {
    %c0_i32 = arith.constant 0 : i32
    return %arg0 : i32
  }
  func.func @transform_5(%arg0: i32) -> (i32, i32) {
    %c0_i32 = arith.constant 0 : i32
    %c0_i32_0 = arith.constant 0 : i32
    %c0_i32_1 = arith.constant 0 : i32
    return %c0_i32, %c0_i32_0 : i32, i32
  }
}

module attributes {stable_mosaic.version = 14 : i64} {
  func.func @_step_body(%arg0: i32, %arg1: memref<256x32xf32, #tpu.memory_space<vmem>>, %arg2: memref<256x128xf32, #tpu.memory_space<vmem>>, %arg3: memref<32x7040xf32, #tpu.memory_space<vmem>>, %arg4: memref<256x32xf32, #tpu.memory_space<vmem>>, %arg5: memref<256xi32, #tpu.memory_space<vmem>>, %arg6: memref<8x128xf32, #tpu.memory_space<vmem>>) attributes {dimension_semantics = [#tpu.dimension_semantics<arbitrary>], iteration_bounds = array<i64: 16>, scalar_prefetch = 0 : i64, scratch_operands = 0 : i64, tpu.core_type = #tpu.core_type<tc>, window_params = [{transform_indices = @transform_0, window_bounds = array<i64: 256, 32>}, {transform_indices = @transform_1, window_bounds = array<i64: 256, 128>}, {pipeline_mode = #tpu.pipeline_mode<synchronous>, transform_indices = @transform_2, window_bounds = array<i64: 32, 7040>}, {transform_indices = @transform_3, window_bounds = array<i64: 256, 32>}, {transform_indices = @transform_4, window_bounds = array<i64: 256>}, {pipeline_mode = #tpu.pipeline_mode<synchronous>, transform_indices = @transform_5, window_bounds = array<i64: 8, 128>}]} {
    %get3A = arith.constant 0 : index
    %get3A_0 = arith.constant 0 : index
    %get3A_1 = vector.load %arg1[%get3A, %get3A_0] : memref<256x32xf32, #tpu.memory_space<vmem>>, vector<256x32xf32>
    %get3A_2 = arith.constant 0 : index
    %get3A_3 = arith.constant 0 : index
    %get3A_4 = vector.load %arg2[%get3A_2, %get3A_3] : memref<256x128xf32, #tpu.memory_space<vmem>>, vector<256x32xf32>
    %sub3A = arith.subf %get3A_1, %get3A_4 : vector<256x32xf32>
    %swap3A = arith.constant 0 : index
    %swap3A_5 = arith.constant 0 : index
    %swap3A_6 = vector.load %arg4[%swap3A, %swap3A_5] : memref<256x32xf32, #tpu.memory_space<vmem>>, vector<256x32xf32>
    tpu.vector_store %arg4[%swap3A, %swap3A_5], %sub3A {strides = array<i32>} : memref<256x32xf32, #tpu.memory_space<vmem>>, vector<256x32xf32>,
    %get3A_7 = arith.constant 0 : index
    %get3A_8 = arith.constant 0 : index
    %get3A_9 = vector.load %arg3[%get3A_7, %get3A_8] : memref<32x7040xf32, #tpu.memory_space<vmem>>, vector<32x7040xf32>
    %iota3A = tpu.iota {dimensions = array<i32: 1>} : vector<1x7040xi32>
    %mul3A = arith.mulf %get3A_9, %get3A_9 : vector<32x7040xf32>
    %reduce_sum3A = arith.constant dense<0.000000e+00> : vector<7040xf32>
    %reduce_sum3A_10 = vector.multi_reduction <add>, %mul3A, %reduce_sum3A [0] : vector<32x7040xf32> to vector<7040xf32>
    %broadcast_in_dim3A = vector.shape_cast %reduce_sum3A_10 : vector<7040xf32> to vector<1x7040xf32>
    %mul3A_11 = arith.constant 2.500000e-01 : f32
    %mul3A_12 = vector.broadcast %mul3A_11 : f32 to vector<1x7040xf32>
    %mul3A_13 = arith.mulf %broadcast_in_dim3A, %mul3A_12 : vector<1x7040xf32>
    %lt3A = arith.constant 7000 : i32
    %lt3A_14 = vector.broadcast %lt3A : i32 to vector<1x7040xi32>
    %lt3A_15 = arith.cmpi slt, %iota3A, %lt3A_14 : vector<1x7040xi32>
    %jit3A = arith.constant 1.000000e+30 : f32
    %broadcast_in_dim3A_16 = vector.broadcast %jit3A : f32 to vector<1x7040xf32>
    %select_n3A = arith.select %lt3A_15, %mul3A_13, %broadcast_in_dim3A_16 : vector<1x7040xi1>, vector<1x7040xf32>
    %mul3A_17 = arith.mulf %sub3A, %sub3A : vector<256x32xf32>
    %reduce_sum3A_18 = arith.constant dense<0.000000e+00> : vector<256xf32>
    %reduce_sum3A_19 = vector.multi_reduction <add>, %mul3A_17, %reduce_sum3A_18 [1] : vector<256x32xf32> to vector<256xf32>
    %broadcast_in_dim3A_20 = vector.shape_cast %reduce_sum3A_19 : vector<256xf32> to vector<256x1xf32>
    %dot_general3A = arith.constant dense<0.000000e+00> : vector<256x7040xf32>
    %dot_general3A_21 = tpu.matmul %sub3A, %get3A_9, %dot_general3A {dimension_numbers = #tpu.dot_dimension_numbers<[1], [0], [0], [1], [0, 0, 1, 1], [], []>, transpose_lhs_hint = false} : vector<256x32xf32>, vector<32x7040xf32>, vector<256x7040xf32> -> vector<256x7040xf32>
    %add3A = vector.broadcast %broadcast_in_dim3A_20 : vector<256x1xf32> to vector<256x7040xf32>
    %add3A_22 = arith.addf %add3A, %dot_general3A_21 : vector<256x7040xf32>
    %add3A_23 = vector.broadcast %select_n3A : vector<1x7040xf32> to vector<256x7040xf32>
    %add3A_24 = arith.addf %add3A_22, %add3A_23 : vector<256x7040xf32>
    %argmin3A = tpu.reduce_index %add3A_24 {axis = 1 : i32, kind = #tpu.reduction_kind<arg_min>} : vector<256x7040xf32> -> vector<256xi32>
    %swap3A_25 = arith.constant 0 : index
    %swap3A_26 = vector.load %arg5[%swap3A_25] : memref<256xi32, #tpu.memory_space<vmem>>, vector<256xi32>
    tpu.vector_store %arg5[%swap3A_25], %argmin3A {strides = array<i32>} : memref<256xi32, #tpu.memory_space<vmem>>, vector<256xi32>,
    %mul3A_27 = arith.mulf %sub3A, %sub3A : vector<256x32xf32>
    %reduce_sum3A_28 = vector.shape_cast %mul3A_27 : vector<256x32xf32> to vector<1x256x32xf32>
    %reduce_sum3A_29 = arith.constant dense<0.000000e+00> : vector<1xf32>
    %reduce_sum3A_30 = vector.multi_reduction <add>, %reduce_sum3A_28, %reduce_sum3A_29 [1, 2] : vector<1x256x32xf32> to vector<1xf32>
    %reduce_sum3A_31 = vector.shape_cast %reduce_sum3A_30 : vector<1xf32> to vector<1x1x1xf32>
    %reduce_sum3A_32 = vector.extract %reduce_sum3A_31[0, 0, 0] : f32 from vector<1x1x1xf32>
    %iota3A_33 = tpu.iota {dimensions = array<i32: 1>} : vector<8x128xi32>
    %eq3A = arith.constant 0 : i32
    %eq3A_34 = vector.broadcast %eq3A : i32 to vector<8x128xi32>
    %eq3A_35 = arith.cmpi eq, %iota3A_33, %eq3A_34 : vector<8x128xi32>
    %jit3A_36 = arith.constant 0.000000e+00 : f32
    %broadcast_in_dim3A_37 = vector.broadcast %reduce_sum3A_32 : f32 to vector<8x128xf32>
    %broadcast_in_dim3A_38 = vector.broadcast %jit3A_36 : f32 to vector<8x128xf32>
    %select_n3A_39 = arith.select %eq3A_35, %broadcast_in_dim3A_37, %broadcast_in_dim3A_38 : vector<8x128xi1>, vector<8x128xf32>
    %eq3A_40 = arith.constant 0 : i32
    %eq3A_41 = arith.cmpi eq, %arg0, %eq3A_40 : i32
    %convert_element_type3A = arith.extui %eq3A_41 : i1 to i32
    %cond3A = arith.constant 0 : i32
    %cond3A_42 = arith.cmpi ne, %convert_element_type3A, %cond3A : i32
    scf.if %cond3A_42 {
      %broadcast_in_dim3A_50 = arith.constant 0.000000e+00 : f32
      %broadcast_in_dim3A_51 = vector.broadcast %broadcast_in_dim3A_50 : f32 to vector<8x128xf32>
      %swap3A_52 = arith.constant 0 : index
      %swap3A_53 = arith.constant 0 : index
      %swap3A_54 = vector.load %arg6[%swap3A_52, %swap3A_53] : memref<8x128xf32, #tpu.memory_space<vmem>>, vector<8x128xf32>
      tpu.vector_store %arg6[%swap3A_52, %swap3A_53], %broadcast_in_dim3A_51 {strides = array<i32>} : memref<8x128xf32, #tpu.memory_space<vmem>>, vector<8x128xf32>,
    } else {
    }
    %get3A_43 = arith.constant 0 : index
    %get3A_44 = arith.constant 0 : index
    %get3A_45 = vector.load %arg6[%get3A_43, %get3A_44] : memref<8x128xf32, #tpu.memory_space<vmem>>, vector<8x128xf32>
    %add3A_46 = arith.addf %get3A_45, %select_n3A_39 : vector<8x128xf32>
    %swap3A_47 = arith.constant 0 : index
    %swap3A_48 = arith.constant 0 : index
    %swap3A_49 = vector.load %arg6[%swap3A_47, %swap3A_48] : memref<8x128xf32, #tpu.memory_space<vmem>>, vector<8x128xf32>
    tpu.vector_store %arg6[%swap3A_47, %swap3A_48], %add3A_46 {strides = array<i32>} : memref<8x128xf32, #tpu.memory_space<vmem>>, vector<8x128xf32>,
    return
  }
  func.func @transform_0(%arg0: i32) -> (i32, i32) {
    %c0_i32 = arith.constant 0 : i32
    %c0_i32_0 = arith.constant 0 : i32
    return %arg0, %c0_i32 : i32, i32
  }
  func.func @transform_1(%arg0: i32) -> (i32, i32) {
    %c0_i32 = arith.constant 0 : i32
    %c0_i32_0 = arith.constant 0 : i32
    return %arg0, %c0_i32 : i32, i32
  }
  func.func @transform_2(%arg0: i32) -> (i32, i32) {
    %c0_i32 = arith.constant 0 : i32
    %c0_i32_0 = arith.constant 0 : i32
    %c0_i32_1 = arith.constant 0 : i32
    return %c0_i32, %c0_i32_0 : i32, i32
  }
  func.func @transform_3(%arg0: i32) -> (i32, i32) {
    %c0_i32 = arith.constant 0 : i32
    %c0_i32_0 = arith.constant 0 : i32
    return %arg0, %c0_i32 : i32, i32
  }
  func.func @transform_4(%arg0: i32) -> i32 {
    %c0_i32 = arith.constant 0 : i32
    return %arg0 : i32
  }
  func.func @transform_5(%arg0: i32) -> (i32, i32) {
    %c0_i32 = arith.constant 0 : i32
    %c0_i32_0 = arith.constant 0 : i32
    %c0_i32_1 = arith.constant 0 : i32
    return %c0_i32, %c0_i32_0 : i32, i32
  }
}

module attributes {stable_mosaic.version = 14 : i64} {
  func.func @_fin_body(%arg0: i32, %arg1: memref<256x32xf32, #tpu.memory_space<vmem>>, %arg2: memref<256x128xf32, #tpu.memory_space<vmem>>, %arg3: memref<256x128xf32, #tpu.memory_space<vmem>>, %arg4: memref<256x128xf32, #tpu.memory_space<vmem>>, %arg5: memref<32x256xf32, #tpu.memory_space<vmem>>, %arg6: memref<1x256xf32, #tpu.memory_space<vmem>>, %arg7: memref<256x512xf32, #tpu.memory_space<vmem>>, %arg8: memref<1x512xf32, #tpu.memory_space<vmem>>, %arg9: memref<512x4096xf32, #tpu.memory_space<vmem>>, %arg10: memref<1x4096xf32, #tpu.memory_space<vmem>>, %arg11: memref<256x4096xf32, #tpu.memory_space<vmem>>, %arg12: memref<8x128xf32, #tpu.memory_space<vmem>>) attributes {dimension_semantics = [#tpu.dimension_semantics<arbitrary>], iteration_bounds = array<i64: 16>, scalar_prefetch = 0 : i64, scratch_operands = 0 : i64, tpu.core_type = #tpu.core_type<tc>, window_params = [{transform_indices = @transform_0, window_bounds = array<i64: 256, 32>}, {transform_indices = @transform_1, window_bounds = array<i64: 256, 128>}, {transform_indices = @transform_2, window_bounds = array<i64: 256, 128>}, {transform_indices = @transform_3, window_bounds = array<i64: 256, 128>}, {pipeline_mode = #tpu.pipeline_mode<synchronous>, transform_indices = @transform_4, window_bounds = array<i64: 32, 256>}, {pipeline_mode = #tpu.pipeline_mode<synchronous>, transform_indices = @transform_5, window_bounds = array<i64: 1, 256>}, {pipeline_mode = #tpu.pipeline_mode<synchronous>, transform_indices = @transform_6, window_bounds = array<i64: 256, 512>}, {pipeline_mode = #tpu.pipeline_mode<synchronous>, transform_indices = @transform_7, window_bounds = array<i64: 1, 512>}, {pipeline_mode = #tpu.pipeline_mode<synchronous>, transform_indices = @transform_8, window_bounds = array<i64: 512, 4096>}, {pipeline_mode = #tpu.pipeline_mode<synchronous>, transform_indices = @transform_9, window_bounds = array<i64: 1, 4096>}, {transform_indices = @transform_10, window_bounds = array<i64: 256, 4096>}, {pipeline_mode = #tpu.pipeline_mode<synchronous>, transform_indices = @transform_11, window_bounds = array<i64: 8, 128>}]} {
    %get3A = arith.constant 0 : index
    %get3A_0 = arith.constant 0 : index
    %get3A_1 = vector.load %arg1[%get3A, %get3A_0] : memref<256x32xf32, #tpu.memory_space<vmem>>, vector<256x32xf32>
    %get3A_2 = arith.constant 0 : index
    %get3A_3 = arith.constant 0 : index
    %get3A_4 = vector.load %arg2[%get3A_2, %get3A_3] : memref<256x128xf32, #tpu.memory_space<vmem>>, vector<256x32xf32>
    %get3A_5 = arith.constant 0 : index
    %get3A_6 = arith.constant 0 : index
    %get3A_7 = vector.load %arg3[%get3A_5, %get3A_6] : memref<256x128xf32, #tpu.memory_space<vmem>>, vector<256x32xf32>
    %get3A_8 = arith.constant 0 : index
    %get3A_9 = arith.constant 0 : index
    %get3A_10 = vector.load %arg4[%get3A_8, %get3A_9] : memref<256x128xf32, #tpu.memory_space<vmem>>, vector<256x32xf32>
    %sub3A = arith.subf %get3A_1, %get3A_4 : vector<256x32xf32>
    %sub3A_11 = arith.subf %sub3A, %get3A_7 : vector<256x32xf32>
    %sub3A_12 = arith.subf %sub3A_11, %get3A_10 : vector<256x32xf32>
    %sub3A_13 = arith.subf %get3A_4, %get3A_1 : vector<256x32xf32>
    %add3A = arith.addf %get3A_1, %sub3A_13 : vector<256x32xf32>
    %sub3A_14 = arith.subf %get3A_7, %sub3A : vector<256x32xf32>
    %add3A_15 = arith.addf %sub3A, %sub3A_14 : vector<256x32xf32>
    %sub3A_16 = arith.subf %get3A_10, %sub3A_11 : vector<256x32xf32>
    %add3A_17 = arith.addf %sub3A_11, %sub3A_16 : vector<256x32xf32>
    %add3A_18 = arith.addf %add3A, %add3A_15 : vector<256x32xf32>
    %add3A_19 = arith.addf %add3A_18, %add3A_17 : vector<256x32xf32>
    %get3A_20 = arith.constant 0 : index
    %get3A_21 = arith.constant 0 : index
    %get3A_22 = vector.load %arg5[%get3A_20, %get3A_21] : memref<32x256xf32, #tpu.memory_space<vmem>>, vector<32x256xf32>
    %dot_general3A = arith.constant dense<0.000000e+00> : vector<256x256xf32>
    %dot_general3A_23 = tpu.matmul %add3A_19, %get3A_22, %dot_general3A {dimension_numbers = #tpu.dot_dimension_numbers<[1], [0], [0], [1], [0, 0, 1, 1], [], []>, transpose_lhs_hint = false} : vector<256x32xf32>, vector<32x256xf32>, vector<256x256xf32> -> vector<256x256xf32>
    %get3A_24 = arith.constant 0 : index
    %get3A_25 = arith.constant 0 : index
    %get3A_26 = vector.load %arg6[%get3A_24, %get3A_25] : memref<1x256xf32, #tpu.memory_space<vmem>>, vector<1x256xf32>
    %add3A_27 = vector.broadcast %get3A_26 : vector<1x256xf32> to vector<256x256xf32>
    %add3A_28 = arith.addf %dot_general3A_23, %add3A_27 : vector<256x256xf32>
    %max3A = arith.constant 0.000000e+00 : f32
    %max3A_29 = vector.broadcast %max3A : f32 to vector<256x256xf32>
    %max3A_30 = arith.maximumf %add3A_28, %max3A_29 : vector<256x256xf32>
    %get3A_31 = arith.constant 0 : index
    %get3A_32 = arith.constant 0 : index
    %get3A_33 = vector.load %arg7[%get3A_31, %get3A_32] : memref<256x512xf32, #tpu.memory_space<vmem>>, vector<256x512xf32>
    %dot_general3A_34 = arith.constant dense<0.000000e+00> : vector<256x512xf32>
    %dot_general3A_35 = tpu.matmul %max3A_30, %get3A_33, %dot_general3A_34 {dimension_numbers = #tpu.dot_dimension_numbers<[1], [0], [0], [1], [0, 0, 1, 1], [], []>, transpose_lhs_hint = false} : vector<256x256xf32>, vector<256x512xf32>, vector<256x512xf32> -> vector<256x512xf32>
    %get3A_36 = arith.constant 0 : index
    %get3A_37 = arith.constant 0 : index
    %get3A_38 = vector.load %arg8[%get3A_36, %get3A_37] : memref<1x512xf32, #tpu.memory_space<vmem>>, vector<1x512xf32>
    %add3A_39 = vector.broadcast %get3A_38 : vector<1x512xf32> to vector<256x512xf32>
    %add3A_40 = arith.addf %dot_general3A_35, %add3A_39 : vector<256x512xf32>
    %max3A_41 = arith.constant 0.000000e+00 : f32
    %max3A_42 = vector.broadcast %max3A_41 : f32 to vector<256x512xf32>
    %max3A_43 = arith.maximumf %add3A_40, %max3A_42 : vector<256x512xf32>
    %get3A_44 = arith.constant 0 : index
    %get3A_45 = arith.constant 0 : index
    %get3A_46 = vector.load %arg9[%get3A_44, %get3A_45] : memref<512x4096xf32, #tpu.memory_space<vmem>>, vector<512x4096xf32>
    %dot_general3A_47 = arith.constant dense<0.000000e+00> : vector<256x4096xf32>
    %dot_general3A_48 = tpu.matmul %max3A_43, %get3A_46, %dot_general3A_47 {dimension_numbers = #tpu.dot_dimension_numbers<[1], [0], [0], [1], [0, 0, 1, 1], [], []>, transpose_lhs_hint = false} : vector<256x512xf32>, vector<512x4096xf32>, vector<256x4096xf32> -> vector<256x4096xf32>
    %get3A_49 = arith.constant 0 : index
    %get3A_50 = arith.constant 0 : index
    %get3A_51 = vector.load %arg10[%get3A_49, %get3A_50] : memref<1x4096xf32, #tpu.memory_space<vmem>>, vector<1x4096xf32>
    %add3A_52 = vector.broadcast %get3A_51 : vector<1x4096xf32> to vector<256x4096xf32>
    %add3A_53 = arith.addf %dot_general3A_48, %add3A_52 : vector<256x4096xf32>
    %swap3A = arith.constant 0 : index
    %swap3A_54 = arith.constant 0 : index
    %swap3A_55 = vector.load %arg11[%swap3A, %swap3A_54] : memref<256x4096xf32, #tpu.memory_space<vmem>>, vector<256x4096xf32>
    tpu.vector_store %arg11[%swap3A, %swap3A_54], %add3A_53 {strides = array<i32>} : memref<256x4096xf32, #tpu.memory_space<vmem>>, vector<256x4096xf32>,
    %mul3A = arith.mulf %sub3A_12, %sub3A_12 : vector<256x32xf32>
    %reduce_sum3A = vector.shape_cast %mul3A : vector<256x32xf32> to vector<1x256x32xf32>
    %reduce_sum3A_56 = arith.constant dense<0.000000e+00> : vector<1xf32>
    %reduce_sum3A_57 = vector.multi_reduction <add>, %reduce_sum3A, %reduce_sum3A_56 [1, 2] : vector<1x256x32xf32> to vector<1xf32>
    %reduce_sum3A_58 = vector.shape_cast %reduce_sum3A_57 : vector<1xf32> to vector<1x1x1xf32>
    %reduce_sum3A_59 = vector.extract %reduce_sum3A_58[0, 0, 0] : f32 from vector<1x1x1xf32>
    %iota3A = tpu.iota {dimensions = array<i32: 1>} : vector<8x128xi32>
    %eq3A = arith.constant 0 : i32
    %eq3A_60 = vector.broadcast %eq3A : i32 to vector<8x128xi32>
    %eq3A_61 = arith.cmpi eq, %iota3A, %eq3A_60 : vector<8x128xi32>
    %jit3A = arith.constant 0.000000e+00 : f32
    %broadcast_in_dim3A = vector.broadcast %reduce_sum3A_59 : f32 to vector<8x128xf32>
    %broadcast_in_dim3A_62 = vector.broadcast %jit3A : f32 to vector<8x128xf32>
    %select_n3A = arith.select %eq3A_61, %broadcast_in_dim3A, %broadcast_in_dim3A_62 : vector<8x128xi1>, vector<8x128xf32>
    %eq3A_63 = arith.constant 0 : i32
    %eq3A_64 = arith.cmpi eq, %arg0, %eq3A_63 : i32
    %convert_element_type3A = arith.extui %eq3A_64 : i1 to i32
    %cond3A = arith.constant 0 : i32
    %cond3A_65 = arith.cmpi ne, %convert_element_type3A, %cond3A : i32
    scf.if %cond3A_65 {
      %broadcast_in_dim3A_73 = arith.constant 0.000000e+00 : f32
      %broadcast_in_dim3A_74 = vector.broadcast %broadcast_in_dim3A_73 : f32 to vector<8x128xf32>
      %swap3A_75 = arith.constant 0 : index
      %swap3A_76 = arith.constant 0 : index
      %swap3A_77 = vector.load %arg12[%swap3A_75, %swap3A_76] : memref<8x128xf32, #tpu.memory_space<vmem>>, vector<8x128xf32>
      tpu.vector_store %arg12[%swap3A_75, %swap3A_76], %broadcast_in_dim3A_74 {strides = array<i32>} : memref<8x128xf32, #tpu.memory_space<vmem>>, vector<8x128xf32>,
    } else {
    }
    %get3A_66 = arith.constant 0 : index
    %get3A_67 = arith.constant 0 : index
    %get3A_68 = vector.load %arg12[%get3A_66, %get3A_67] : memref<8x128xf32, #tpu.memory_space<vmem>>, vector<8x128xf32>
    %add3A_69 = arith.addf %get3A_68, %select_n3A : vector<8x128xf32>
    %swap3A_70 = arith.constant 0 : index
    %swap3A_71 = arith.constant 0 : index
    %swap3A_72 = vector.load %arg12[%swap3A_70, %swap3A_71] : memref<8x128xf32, #tpu.memory_space<vmem>>, vector<8x128xf32>
    tpu.vector_store %arg12[%swap3A_70, %swap3A_71], %add3A_69 {strides = array<i32>} : memref<8x128xf32, #tpu.memory_space<vmem>>, vector<8x128xf32>,
    return
  }
  func.func @transform_0(%arg0: i32) -> (i32, i32) {
    %c0_i32 = arith.constant 0 : i32
    %c0_i32_0 = arith.constant 0 : i32
    return %arg0, %c0_i32 : i32, i32
  }
  func.func @transform_1(%arg0: i32) -> (i32, i32) {
    %c0_i32 = arith.constant 0 : i32
    %c0_i32_0 = arith.constant 0 : i32
    return %arg0, %c0_i32 : i32, i32
  }
  func.func @transform_2(%arg0: i32) -> (i32, i32) {
    %c0_i32 = arith.constant 0 : i32
    %c0_i32_0 = arith.constant 0 : i32
    return %arg0, %c0_i32 : i32, i32
  }
  func.func @transform_3(%arg0: i32) -> (i32, i32) {
    %c0_i32 = arith.constant 0 : i32
    %c0_i32_0 = arith.constant 0 : i32
    return %arg0, %c0_i32 : i32, i32
  }
  func.func @transform_4(%arg0: i32) -> (i32, i32) {
    %c0_i32 = arith.constant 0 : i32
    %c0_i32_0 = arith.constant 0 : i32
    %c0_i32_1 = arith.constant 0 : i32
    return %c0_i32, %c0_i32_0 : i32, i32
  }
  func.func @transform_5(%arg0: i32) -> (i32, i32) {
    %c0_i32 = arith.constant 0 : i32
    %c0_i32_0 = arith.constant 0 : i32
    %c0_i32_1 = arith.constant 0 : i32
    return %c0_i32, %c0_i32_0 : i32, i32
  }
  func.func @transform_6(%arg0: i32) -> (i32, i32) {
    %c0_i32 = arith.constant 0 : i32
    %c0_i32_0 = arith.constant 0 : i32
    %c0_i32_1 = arith.constant 0 : i32
    return %c0_i32, %c0_i32_0 : i32, i32
  }
  func.func @transform_7(%arg0: i32) -> (i32, i32) {
    %c0_i32 = arith.constant 0 : i32
    %c0_i32_0 = arith.constant 0 : i32
    %c0_i32_1 = arith.constant 0 : i32
    return %c0_i32, %c0_i32_0 : i32, i32
  }
  func.func @transform_8(%arg0: i32) -> (i32, i32) {
    %c0_i32 = arith.constant 0 : i32
    %c0_i32_0 = arith.constant 0 : i32
    %c0_i32_1 = arith.constant 0 : i32
    return %c0_i32, %c0_i32_0 : i32, i32
  }
  func.func @transform_9(%arg0: i32) -> (i32, i32) {
    %c0_i32 = arith.constant 0 : i32
    %c0_i32_0 = arith.constant 0 : i32
    %c0_i32_1 = arith.constant 0 : i32
    return %c0_i32, %c0_i32_0 : i32, i32
  }
  func.func @transform_10(%arg0: i32) -> (i32, i32) {
    %c0_i32 = arith.constant 0 : i32
    %c0_i32_0 = arith.constant 0 : i32
    return %arg0, %c0_i32 : i32, i32
  }
  func.func @transform_11(%arg0: i32) -> (i32, i32) {
    %c0_i32 = arith.constant 0 : i32
    %c0_i32_0 = arith.constant 0 : i32
    %c0_i32_1 = arith.constant 0 : i32
    return %c0_i32, %c0_i32_0 : i32, i32
  }
}

</mosaic_0001>

<sc_bundles>
// kernel: kernel.12.cloned.1.call-start
scs
__scs_entry_jumppad:
0x0: {  	(pc) =	sbr.rel $0x88, $3  }
0x1: {  	(tag) =	ssettag $0x0;
	lr =	simm.s32 $0x1  }
0x2: {  	[smem:$0x3F93] =	sst lr;
	_ =	strace $0xD0000000  }
0x3: {  	_ = 	snop  }
0x4: {  	_ = 	snop  }
0x5: {  	_ = 	snop  }
0x6: {  	_ = 	snop  }
0x7: {  	_ = 	snop  }
__scs_overlays_trampoline_lowered:
0x8: {  	[smem:$0x3FA2] =	sst s0  }
0x9: {  	[smem:$0x3FA3] =	sst s1  }
0xa: {  	[smem:$0x3FA4] =	sst s2  }
0xb: {  	[smem:$0x3FA5] =	sst s3  }
0xc: {  	[smem:$0x3FA6] =	sst s4  }
0xd: {  	[smem:$0x3FA7] =	sst s5  }
0xe: {  	[smem:$0x3FA8] =	sst s6  }
0xf: {  	[smem:$0x3FA9] =	sst s7  }
0x10: {  	[smem:$0x3FAA] =	sst s8  }
0x11: {  	[smem:$0x3FAB] =	sst s9;
	s0 =	simm.s32 @!p0 $0x0  }
0x12: {  	s1 =	sld [smem:$0x3F91];
	s0 =	simm.s32 @p0 $0x1  }
0x13: {  	[smem:$0x3FAC] =	sst s0;
	s0 =	simm.s32 @!p1 $0x0  }
0x14: {  	s2 =	sld [smem:$0x3F90];
	s0 =	simm.s32 @p1 $0x1  }
0x15: {  	[smem:$0x3FAD] =	sst s0;
	s0 =	simm.s32 @!p2 $0x0  }
0x16: {  	s3 =	sld [smem:$0x3FDB];
	s0 =	simm.s32 @p2 $0x1  }
0x17: {  	s4 =	simm.s32 $0x1BF5;
	[smem:$0x3FAF] =	sst s0  }
0x18: {  	s0 =	sld [smem:$0x3F92];
	_ =	swait.ge [sflag:s4], $0x0  }
0x19: {  	s7 =	sld [smem:$0x3F93]  }
0x1a: {  	s8 =	sadd.s32 $0xFFFFE003, lr  }
0x1b: {  	s9 =	sadd.s32 $0xFFFFFEF7, lr;
	s5 =	simm.s32 $0xFFFFFFFF;
	p2 =	slt.u32 s8, $0xFFFFF086  }
0x1c: {  	p1 =	slt.u32 s9, $0xF7A;
	s5 =	simm.s32 @!p2 $0x0  }
0x1d: {  	s5 =	simm.s32 @p1 $0x1;
	p0 =	seq.s32 s7, s2  }
0x1e: {  	s7 =	smul.u32 @!p0 $0xF7A, s2;
	p2 =	seq.s32 @!p0 s5, $0x0  }
0x1f: {  	s9 =	smul.u32 $0xF7A, s1;
	s8 =	simm.s32 @!p0 $0x1BF5;
	p2 =	por !p2, p0  }
0x20: {  	[sflag:s8] =	ssyncset.s32 @!p0 $0xFFFFF086;
	s6 =	sadd.s32 @!p0 s3, s7;
	s7 =	simm.s32 @!p0 $0x108  }
0x21: {  	s3 =	sadd.s32 s3, s9;
	s6 =	sadd.s32 @!p0 $0x88, s6;
	s7 =	simm.s32 @p2 $0x1082  }
0x22: {  	[simem:s7], [sflag:s8] =	dma.local @!p0 [hbm:s6], $0xF7A  }
0x23: {  	s9 =	sor.u32 $0xD0000000, s2;
	s6 =	simm.s32 $0x108;
	_ =	swait.ge @!p0 [sflag:s8], $0x0  }
0x24: {  	s3 =	sadd.s32 $0x88, s3;
	s6 =	simm.s32 @!p1 $0x1082;
	[sflag:s4] =	ssyncset.s32 $0xFFFFF086  }
0x25: {  	[simem:s6], [sflag:s4] =	dma.local [hbm:s3], $0xF7A  }
0x26: {  	[smem:$0x3F93] =	sst s1;
	(tag) =	ssettag s2;
	_ =	strace s9  }
0x27: {  	s1 =	sld [smem:$0x3FA3]  }
0x28: {  	s2 =	sld [smem:$0x3FA4]  }
0x29: {  	s4 =	sld [smem:$0x3FA6]  }
0x2a: {  	p0 =	seq.s32 s5, $0x0;
	s5 =	sld [smem:$0x3FA7]  }
0x2b: {  	s6 =	sld [smem:$0x3FA8]  }
0x2c: {  	s7 =	sld [smem:$0x3FA9]  }
0x2d: {  	s3 =	simm.s32 $0x108;
	s8 =	sld [smem:$0x3FAA]  }
0x2e: {  	s3 =	simm.s32 @!p0 $0x1082;
	s9 =	sld [smem:$0x3FAB]  }
0x2f: {  	lr =	sadd.s32 s0, s3;
	s0 =	sld [smem:$0x3FA2]  }
0x30: {  	s3 =	sld [smem:$0x3FA5]  }
0x31: {  	[smem:$0x3FAE] =	sst s10  }
0x32: {  	s10 =	sld [smem:$0x3FAC];
	_ =	sdelay $0x3  }
0x33: {  	p0 =	seq.s32 s10, $0x1;
	s10 =	sld [smem:$0x3FAE];
	_ =	sdelay $0x3  }
0x34: {  	[smem:$0x3FAE] =	sst s10  }
0x35: {  	s10 =	sld [smem:$0x3FAD];
	_ =	sdelay $0x3  }
0x36: {  	p1 =	seq.s32 s10, $0x1;
	s10 =	sld [smem:$0x3FAE];
	_ =	sdelay $0x3  }
0x37: {  	[smem:$0x3FAE] =	sst s10  }
0x38: {  	s10 =	sld [smem:$0x3FAF]  }
0x39: {  	_ = 	snop;
	(pc) =	sbr.ind lr, $3  }
0x3a: {  	_ = 	snop  }
0x3b: {  	_ = 	snop  }
0x3c: {  	p2 =	seq.s32 s10, $0x1;
	s10 =	sld [smem:$0x3FAE]  }
0x3d: {  	_ =	shalt  }
0x3e: {  	_ =	shalt  }
0x3f: {  	_ =	shalt  }
0x40: {  	_ =	shalt  }
0x41: {  	_ =	shalt  }
0x42: {  	_ =	shalt  }
0x43: {  	_ =	shalt  }
0x44: {  	_ =	shalt  }
0x45: {  	_ =	shalt  }
0x46: {  	_ =	shalt  }
0x47: {  	_ =	shalt  }
0x48: {  	_ =	shalt  }
0x49: {  	_ =	shalt  }
0x4a: {  	_ =	shalt  }
0x4b: {  	_ =	shalt  }
0x4c: {  	_ =	shalt  }
0x4d: {  	_ =	shalt  }
0x4e: {  	_ =	shalt  }
0x4f: {  	_ =	shalt  }
0x50: {  	_ =	shalt  }
0x51: {  	_ =	shalt  }
0x52: {  	_ =	shalt  }
0x53: {  	_ =	shalt  }
0x54: {  	_ =	shalt  }
0x55: {  	_ =	shalt  }
0x56: {  	_ =	shalt  }
0x57: {  	_ =	shalt  }
0x58: {  	_ =	shalt  }
0x59: {  	_ =	shalt  }
0x5a: {  	_ =	shalt  }
0x5b: {  	_ =	shalt  }
0x5c: {  	_ =	shalt  }
0x5d: {  	_ =	shalt  }
0x5e: {  	_ =	shalt  }
0x5f: {  	_ =	shalt  }
0x60: {  	_ =	shalt  }
0x61: {  	_ =	shalt  }
0x62: {  	_ =	shalt  }
0x63: {  	_ =	shalt  }
0x64: {  	_ =	shalt  }
0x65: {  	_ =	shalt  }
0x66: {  	_ =	shalt  }
0x67: {  	_ =	shalt  }
0x68: {  	_ =	shalt  }
0x69: {  	_ =	shalt  }
0x6a: {  	_ =	shalt  }
0x6b: {  	_ =	shalt  }
0x6c: {  	_ =	shalt  }
0x6d: {  	_ =	shalt  }
0x6e: {  	_ =	shalt  }
0x6f: {  	_ =	shalt  }
0x70: {  	_ =	shalt  }
0x71: {  	_ =	shalt  }
0x72: {  	_ =	shalt  }
0x73: {  	_ =	shalt  }
0x74: {  	_ =	shalt  }
0x75: {  	_ =	shalt  }
0x76: {  	_ =	shalt  }
0x77: {  	_ =	shalt  }
0x78: {  	_ =	shalt  }
0x79: {  	_ =	shalt  }
0x7a: {  	_ =	shalt  }
0x7b: {  	_ =	shalt  }
0x7c: {  	_ =	shalt  }
0x7d: {  	_ =	shalt  }
0x7e: {  	_ =	shalt  }
0x7f: {  	_ =	shalt  }
0x80: {  	_ =	shalt  }
0x81: {  	_ =	shalt  }
0x82: {  	_ =	shalt  }
0x83: {  	_ =	shalt  }
0x84: {  	_ =	shalt  }
0x85: {  	_ =	shalt  }
0x86: {  	_ =	shalt  }
0x87: {  	_ =	shalt  }
.Lfunc_end0:
.L_simem_size_0:
called_computation.1_lowered:
.L_overlay_start_0:
0x88: {  	s2 =	sld [smem:$0x3FD9]  }
0x89: {  	s3 =	sld [smem:$0x3FFE];
	_ =	sdelay $0x1  }
0x8a: {  	s1 =	srdreg.scid  }
0x8b: {  	s0 =	sand.u32 $0x1, s1  }
0x8c: {  	s16 =	sshll.u32 s0, $0xA;
	s2 =	sadd.s32 s3, s2  }
0x8d: {  	s2 =	sadd.s32 s2, s16  }
0x8e: {  	[smem:$0x3FBA] =	sst s2  }
0x8f: {  	_ = 	snop  }
0x90: {  	(tm) =	ssettm $0x1  }
0x91: {  	s17 =	sld [smem:$0x3FFB];
	_ =	sdelay $0x3  }
0x92: {  	_ =	strace s17  }
0x93: {  	s2 =	sld [smem:$0x3FFC];
	_ =	sdelay $0x3  }
0x94: {  	_ =	strace s2  }
0x95: {  	s2 =	sld [smem:$0x3FFD];
	_ =	sdelay $0x3  }
0x96: {  	_ =	strace s2  }
0x97: {  	_ =	strace $0x8FFFFFFF  }
0x98: {  	s18 =	sld [smem:$0x3FDB];
	_ =	sdelay $0x1  }
0x99: {  	s19 =	simm.s32 $_scs_section_size  }
0x9a: {  	s4 =	simm.s32 $_size__tile_overlayer_lowered;
	s5 =	simm.s32 $_tile_overlayer_lowered  }
0x9b: {  	s22 =	simm.s32 $0x1BFF;
	s21 =	sshll.u32 s5, $0x1;
	s2 =	sadd.s32 s19, s18  }
0x9c: {  	s6 =	simm.s32 $0x0;
	s20 =	sshll.u32 s4, $0x1;
	s4 =	sadd.s32 s21, s2  }
0x9d: {  	[timem:s6], [sflag:s22] =	dma.local [hbm:s4], s20  }
0x9e: {  	_ =	swait.ge [sflag:s22], s20  }
0x9f: {  	s3 =	ssub.s32 $0x0, s20;
	[sflag:s22] =	ssyncset.done $0x0  }
0xa0: {  	[sflag:s22] =	ssyncadd.s32 s3;
	_ =	sdelay $0x1  }
0xa1: {  	s23 =	simm.s32 $0x1B8B  }
0xa2: {  	_ =	swait.ge [sflag:s23], $0x1  }
0xa3: {  	[sflag:s23] =	ssyncset.done $0x0  }
0xa4: {  	s25 =	simm.s32 $0x1B8E;
	s24 =	sld [smem:$0x3FFE];
	[sflag:s23] =	ssyncadd.s32 $0xFFFFFFFF  }
0xa5: {  	s26 =	simm.s32 $execute0_lowered;
	[smem:$0x3FD2] =	sst s25  }
0xa6: {  	s4 =	sshll.u32 s26, $0x1;
	_ =	strace $0x80000049;
	[dreg:$0x1] =	wrdreg $0xFFFFFFFF  }
0xa7: {  	s28 =	simm.s32 $_size_execute0_lowered;
	s2 =	sadd.s32 s2, s4;
	[dreg:$0x0] =	wrdreg $0x0  }
0xa8: {  	s4 =	sshll.u32 s28, $0x1;
	[dreg:$0x2] =	wrdreg s2  }
0xa9: {  	[dreg:$0x3] =	wrdreg s4  }
0xaa: {  	[dreg:$0x4] =	wrdreg $0xC0  }
0xab: {  	_ =	task [dreg:s6], $0x5FFFF  }
0xac: {  	[dreg:$0x1] =	wrdreg $0xFFFFFFFF  }
0xad: {  	[dreg:$0x0] =	wrdreg $0x60  }
0xae: {  	[dreg:$0x2] =	wrdreg s24  }
0xaf: {  	[dreg:$0x3] =	wrdreg $0x9  }
0xb0: {  	_ =	task.clear_ibuf [dreg:s6], $0x4FFFF;
	_ =	strace $0x90000049  }
0xb1: {  	s29 =	simm.s32 $0x9;
	_ =	strace $0x8000004B  }
0xb2: {  	_ =	swait.ge [sflag:s29], $0x1  }
0xb3: {  	[sflag:s29] =	ssyncadd.s32 $0xFFFFFFFF  }
0xb4: {  	_ =	strace $0x9000004B  }
0xb5: {  	_ =	sfence  }
0xb6: {  	s30 =	sld [smem:$0x0];
	_ =	sdelay $0x2  }
0xb7: {  	s31 =	sshll.u32 s1, $0xD;
	s1 =	sshrl.u32 s1, $0x2  }
0xb8: {  	s3 =	sand.u32 $0x4000, s31;
	s1 =	sadd.s32 s1, s30  }
0xb9: {  	s0 =	sor.u32 s3, s0;
	s1 =	sshll.u32 s1, $0x11  }
0xba: {  	s0 =	sor.u32 s1, s0  }
0xbb: {  	s0 =	sadd.s32 $0x8F2B, s0  }
0xbc: {  	[sflag:s0] =	ssyncadd.remote.s32 $0x1  }
0xbd: {  	_ =	sfence.sel $0xFFFF  }
0xbe: {  	[dreg:$0x0] =	wrdreg $0xFFFFFFFF;
	(pc) =	sbr.abs _section_cstart, $3  }
0xbf: {  	[dreg:$0x1] =	wrdreg $0xFFFFFFFF  }
0xc0: {  	_ =	task.clear_ibuf [dreg:s6], $0x2FFFF;
	_ =	strace $0x9FFFFFFF  }
0xc1: {  	(tm) =	ssettm $0x7FFFFFFF  }
tec
execute0_lowered:
.L_overlay_start_1:
0x0: {  	(tag) =	ssettag $0x1  }
0x1: {  	s1 =	srdreg.scid  }
0x2: {  	s0 =	stileid.u32;
	s6 =	sand.u32 $0x1, s1  }
0x3: {  	s8 =	rddreg [dreg:$0x0];
	s30 =	sshll.u32 s0, $0x8;
	s2 =	sshll.u32 s6, $0x7  }
0x4: {  	s7 =	simm.s32 $0x1;
	s1 =	rddreg [dreg:$0x1];
	s9 =	sor.u32 s2, s30  }
0x5: {  	s5 =	sadd.s32 $0x20A00, s8;
	s2 =	simm.s32 $0x0;
	s3 =	sshrl.u32 s9, $0x3  }
0x6: {  	s10 =	ssub.s32 $0x2, s6;
	[smem:$0x7FF] =	sst s2;
	s3 =	sadd.s32 s3, s8  }
0x7: {  	_ =	strace $0x8000004A;
	s4 =	sadd.s32 $0x5400, s3;
	s3 =	simm.s32 $0x2  }
0x8: {  	[tilespmem:s2], [sflag:$0x2] =	stream.linear.gather [hbm4b:s4+s2], $0x80, $0x38;
	[tilespmem:$0x4080] =	vst v63  }
0x9: {  	s6 =	simm.s32 $0x80;
	s11 =	sshrl.u32 s10, $0x1;
	_ =	swait.ge [sflag:s3], $0x80  }
0xa: {  	s9 =	sshll.u32 s9, $0x4;
	s31 =	ssub.s32 s10, s11;
	[sflag:s3] =	ssyncset.done $0x0  }
0xb: {  	s8 =	sadd.s32 s9, s8;
	s9 =	smax.u32 s31, $0x1;
	[sflag:s3] =	ssyncadd.s32 $0xFFFFFF80  }
0xc: {  	[tilespmem:s6], [sflag:$0x1] =	stream.indirect.gather [hbm4b:s5+s6], $0x80, s2, s6, $0xb8;
	[tilespmem:$0x4080] =	vst v63  }
0xd: {  	p0 =	sne.s32 s9, $0x1;
	_ =	swait.ge [sflag:s7], $0x4000  }
.Ltmp0:
0xe: {  	[sflag:s7] =	ssyncset.done $0x0;
	(pc) =	sbr.rel @!p0 .LBB2_2-.Ltmp0, $4  }
0xf: {  	s8 =	sadd.s32 $0x5600, s8;
	[sflag:s7] =	ssyncadd.s32 $0xFFFFC000  }
0x10: {  	[hbm4b:s8+s2] =	stream.linear.scatter [tilespmem:s6], [sflag:$0x2], $0x4000, $0x38;
	[tilespmem:$0x4080] =	vst v63  }
0x11: {  	_ =	swait.ge [sflag:s3], $0x4000  }
0x12: {  	s9 =	sadd.s32 $0xFFFFFFFF, s9;
	[sflag:s3] =	ssyncset.done $0x0  }
.LBB2_1:
0x13: {  	p0 =	sne.s32 s9, $0x1;
	s9 =	sadd.s32 $0xFFFFFFFF, s9;
	[sflag:s3] =	ssyncadd.s32 $0xFFFFC000  }
0x14: {  	[tilespmem:s2], [sflag:$0x2] =	stream.linear.gather [hbm4b:s4+s2], $0x80, $0x38;
	[tilespmem:$0x4080] =	vst v63  }
0x15: {  	_ =	swait.ge [sflag:s3], $0x80  }
0x16: {  	[sflag:s3] =	ssyncset.done $0x0  }
0x17: {  	[sflag:s3] =	ssyncadd.s32 $0xFFFFFF80  }
0x18: {  	[tilespmem:s6], [sflag:$0x1] =	stream.indirect.gather [hbm4b:s5+s6], $0x80, s2, s6, $0xb8;
	[tilespmem:$0x4080] =	vst v63  }
0x19: {  	_ =	swait.ge [sflag:s7], $0x4000  }
.Ltmp1:
0x1a: {  	[sflag:s7] =	ssyncset.done $0x0;
	(pc) =	sbr.rel @p0 .LBB2_1-.Ltmp1, $4  }
0x1b: {  	[sflag:s7] =	ssyncadd.s32 $0xFFFFC000  }
0x1c: {  	[hbm4b:s8+s2] =	stream.linear.scatter [tilespmem:s6], [sflag:$0x2], $0x4000, $0x38;
	[tilespmem:$0x4080] =	vst v63  }
0x1d: {  	_ =	swait.ge [sflag:s3], $0x4000  }
0x1e: {  	[sflag:s3] =	ssyncset.done $0x0  }
.LBB2_2:
0x1f: {  	[sflag:s3] =	ssyncadd.s32 $0xFFFFC000  }
0x20: {  	_ =	sfence.sel $0x180000  }
0x21: {  	[bflag:$0x0] =	sbarrier.arrive $0xFFFF  }
0x22: {  	p0 =	sne.s32 s0, $0x0;
	_ =	strace $0x9000004A  }
0x23: {  	s0 =	sadd.s32 @!p0 $0x100000, s1;
	[bflag:$0x2] =	sbarrier.arrive $0xFFFF  }
0x24: {  	[sflag:s0] =	ssyncadd.tile.s32 @!p0 $0x1;
	_ =	shalt  }
.Lfunc_end2:
_tile_overlayer_lowered:
.L_overlay_start_2:
0x25: {  	(tag) =	ssettag $0x2  }
0x26: {  	s0 =	rddreg [dreg:$0x0];
	s2 =	stileid.u32  }
0x27: {  	s1 =	rddreg [dreg:$0x1];
	p0 =	sne.s32 s2, $0x0  }
0x28: {  	s3 =	rddreg [dreg:$0x2];
	[bflag:$0x3] =	sbarrier.arrive $0xFFFF;
	s2 =	simm.s32 @!p0 $0x1C02  }
0x29: {  	[timem:s3], [sflag:s2] =	dma.local @!p0 [hbm:s0], s1  }
0x2a: {  	s0 =	simm.s32 @!p0 $0x2  }
0x2b: {  	_ =	swait.ge @!p0 [sflag:s0], s1  }
0x2c: {  	s1 =	ssub.s32 @!p0 $0x0, s1;
	[sflag:s0] =	ssyncset.done @!p0 $0x0  }
0x2d: {  	[sflag:s0] =	ssyncadd.s32 @!p0 s1  }
0x2e: {  	[bflag:$0x3] =	sbarrier.arrive $0xFFFF  }
0x2f: {  	_ =	shalt  }

// kernel: kernel.15.cloned.1.call-start
scs
__scs_entry_jumppad:
0x0: {  	(pc) =	sbr.rel $0x88, $3  }
0x1: {  	(tag) =	ssettag $0x0;
	lr =	simm.s32 $0x1  }
0x2: {  	[smem:$0x3F93] =	sst lr;
	_ =	strace $0xD0000000  }
0x3: {  	_ = 	snop  }
0x4: {  	_ = 	snop  }
0x5: {  	_ = 	snop  }
0x6: {  	_ = 	snop  }
0x7: {  	_ = 	snop  }
__scs_overlays_trampoline_lowered:
0x8: {  	[smem:$0x3FA2] =	sst s0  }
0x9: {  	[smem:$0x3FA3] =	sst s1  }
0xa: {  	[smem:$0x3FA4] =	sst s2  }
0xb: {  	[smem:$0x3FA5] =	sst s3  }
0xc: {  	[smem:$0x3FA6] =	sst s4  }
0xd: {  	[smem:$0x3FA7] =	sst s5  }
0xe: {  	[smem:$0x3FA8] =	sst s6  }
0xf: {  	[smem:$0x3FA9] =	sst s7  }
0x10: {  	[smem:$0x3FAA] =	sst s8  }
0x11: {  	[smem:$0x3FAB] =	sst s9;
	s0 =	simm.s32 @!p0 $0x0  }
0x12: {  	s1 =	sld [smem:$0x3F91];
	s0 =	simm.s32 @p0 $0x1  }
0x13: {  	[smem:$0x3FAC] =	sst s0;
	s0 =	simm.s32 @!p1 $0x0  }
0x14: {  	s2 =	sld [smem:$0x3F90];
	s0 =	simm.s32 @p1 $0x1  }
0x15: {  	[smem:$0x3FAD] =	sst s0;
	s0 =	simm.s32 @!p2 $0x0  }
0x16: {  	s3 =	sld [smem:$0x3FDB];
	s0 =	simm.s32 @p2 $0x1  }
0x17: {  	s4 =	simm.s32 $0x1BF5;
	[smem:$0x3FAF] =	sst s0  }
0x18: {  	s0 =	sld [smem:$0x3F92];
	_ =	swait.ge [sflag:s4], $0x0  }
0x19: {  	s7 =	sld [smem:$0x3F93]  }
0x1a: {  	s8 =	sadd.s32 $0xFFFFE003, lr  }
0x1b: {  	s9 =	sadd.s32 $0xFFFFFEF7, lr;
	s5 =	simm.s32 $0xFFFFFFFF;
	p2 =	slt.u32 s8, $0xFFFFF086  }
0x1c: {  	p1 =	slt.u32 s9, $0xF7A;
	s5 =	simm.s32 @!p2 $0x0  }
0x1d: {  	s5 =	simm.s32 @p1 $0x1;
	p0 =	seq.s32 s7, s2  }
0x1e: {  	s7 =	smul.u32 @!p0 $0xF7A, s2;
	p2 =	seq.s32 @!p0 s5, $0x0  }
0x1f: {  	s9 =	smul.u32 $0xF7A, s1;
	s8 =	simm.s32 @!p0 $0x1BF5;
	p2 =	por !p2, p0  }
0x20: {  	[sflag:s8] =	ssyncset.s32 @!p0 $0xFFFFF086;
	s6 =	sadd.s32 @!p0 s3, s7;
	s7 =	simm.s32 @!p0 $0x108  }
0x21: {  	s3 =	sadd.s32 s3, s9;
	s6 =	sadd.s32 @!p0 $0x88, s6;
	s7 =	simm.s32 @p2 $0x1082  }
0x22: {  	[simem:s7], [sflag:s8] =	dma.local @!p0 [hbm:s6], $0xF7A  }
0x23: {  	s9 =	sor.u32 $0xD0000000, s2;
	s6 =	simm.s32 $0x108;
	_ =	swait.ge @!p0 [sflag:s8], $0x0  }
0x24: {  	s3 =	sadd.s32 $0x88, s3;
	s6 =	simm.s32 @!p1 $0x1082;
	[sflag:s4] =	ssyncset.s32 $0xFFFFF086  }
0x25: {  	[simem:s6], [sflag:s4] =	dma.local [hbm:s3], $0xF7A  }
0x26: {  	[smem:$0x3F93] =	sst s1;
	(tag) =	ssettag s2;
	_ =	strace s9  }
0x27: {  	s1 =	sld [smem:$0x3FA3]  }
0x28: {  	s2 =	sld [smem:$0x3FA4]  }
0x29: {  	s4 =	sld [smem:$0x3FA6]  }
0x2a: {  	p0 =	seq.s32 s5, $0x0;
	s5 =	sld [smem:$0x3FA7]  }
0x2b: {  	s6 =	sld [smem:$0x3FA8]  }
0x2c: {  	s7 =	sld [smem:$0x3FA9]  }
0x2d: {  	s3 =	simm.s32 $0x108;
	s8 =	sld [smem:$0x3FAA]  }
0x2e: {  	s3 =	simm.s32 @!p0 $0x1082;
	s9 =	sld [smem:$0x3FAB]  }
0x2f: {  	lr =	sadd.s32 s0, s3;
	s0 =	sld [smem:$0x3FA2]  }
0x30: {  	s3 =	sld [smem:$0x3FA5]  }
0x31: {  	[smem:$0x3FAE] =	sst s10  }
0x32: {  	s10 =	sld [smem:$0x3FAC];
	_ =	sdelay $0x3  }
0x33: {  	p0 =	seq.s32 s10, $0x1;
	s10 =	sld [smem:$0x3FAE];
	_ =	sdelay $0x3  }
0x34: {  	[smem:$0x3FAE] =	sst s10  }
0x35: {  	s10 =	sld [smem:$0x3FAD];
	_ =	sdelay $0x3  }
0x36: {  	p1 =	seq.s32 s10, $0x1;
	s10 =	sld [smem:$0x3FAE];
	_ =	sdelay $0x3  }
0x37: {  	[smem:$0x3FAE] =	sst s10  }
0x38: {  	s10 =	sld [smem:$0x3FAF]  }
0x39: {  	_ = 	snop;
	(pc) =	sbr.ind lr, $3  }
0x3a: {  	_ = 	snop  }
0x3b: {  	_ = 	snop  }
0x3c: {  	p2 =	seq.s32 s10, $0x1;
	s10 =	sld [smem:$0x3FAE]  }
0x3d: {  	_ =	shalt  }
0x3e: {  	_ =	shalt  }
0x3f: {  	_ =	shalt  }
0x40: {  	_ =	shalt  }
0x41: {  	_ =	shalt  }
0x42: {  	_ =	shalt  }
0x43: {  	_ =	shalt  }
0x44: {  	_ =	shalt  }
0x45: {  	_ =	shalt  }
0x46: {  	_ =	shalt  }
0x47: {  	_ =	shalt  }
0x48: {  	_ =	shalt  }
0x49: {  	_ =	shalt  }
0x4a: {  	_ =	shalt  }
0x4b: {  	_ =	shalt  }
0x4c: {  	_ =	shalt  }
0x4d: {  	_ =	shalt  }
0x4e: {  	_ =	shalt  }
0x4f: {  	_ =	shalt  }
0x50: {  	_ =	shalt  }
0x51: {  	_ =	shalt  }
0x52: {  	_ =	shalt  }
0x53: {  	_ =	shalt  }
0x54: {  	_ =	shalt  }
0x55: {  	_ =	shalt  }
0x56: {  	_ =	shalt  }
0x57: {  	_ =	shalt  }
0x58: {  	_ =	shalt  }
0x59: {  	_ =	shalt  }
0x5a: {  	_ =	shalt  }
0x5b: {  	_ =	shalt  }
0x5c: {  	_ =	shalt  }
0x5d: {  	_ =	shalt  }
0x5e: {  	_ =	shalt  }
0x5f: {  	_ =	shalt  }
0x60: {  	_ =	shalt  }
0x61: {  	_ =	shalt  }
0x62: {  	_ =	shalt  }
0x63: {  	_ =	shalt  }
0x64: {  	_ =	shalt  }
0x65: {  	_ =	shalt  }
0x66: {  	_ =	shalt  }
0x67: {  	_ =	shalt  }
0x68: {  	_ =	shalt  }
0x69: {  	_ =	shalt  }
0x6a: {  	_ =	shalt  }
0x6b: {  	_ =	shalt  }
0x6c: {  	_ =	shalt  }
0x6d: {  	_ =	shalt  }
0x6e: {  	_ =	shalt  }
0x6f: {  	_ =	shalt  }
0x70: {  	_ =	shalt  }
0x71: {  	_ =	shalt  }
0x72: {  	_ =	shalt  }
0x73: {  	_ =	shalt  }
0x74: {  	_ =	shalt  }
0x75: {  	_ =	shalt  }
0x76: {  	_ =	shalt  }
0x77: {  	_ =	shalt  }
0x78: {  	_ =	shalt  }
0x79: {  	_ =	shalt  }
0x7a: {  	_ =	shalt  }
0x7b: {  	_ =	shalt  }
0x7c: {  	_ =	shalt  }
0x7d: {  	_ =	shalt  }
0x7e: {  	_ =	shalt  }
0x7f: {  	_ =	shalt  }
0x80: {  	_ =	shalt  }
0x81: {  	_ =	shalt  }
0x82: {  	_ =	shalt  }
0x83: {  	_ =	shalt  }
0x84: {  	_ =	shalt  }
0x85: {  	_ =	shalt  }
0x86: {  	_ =	shalt  }
0x87: {  	_ =	shalt  }
.Lfunc_end0:
.L_simem_size_0:
called_computation.2_lowered:
.L_overlay_start_0:
0x88: {  	s2 =	sld [smem:$0x3FD9]  }
0x89: {  	s3 =	sld [smem:$0x3FFE];
	_ =	sdelay $0x1  }
0x8a: {  	s1 =	srdreg.scid  }
0x8b: {  	s0 =	sand.u32 $0x1, s1  }
0x8c: {  	s14 =	sshll.u32 s0, $0xA;
	s2 =	sadd.s32 s3, s2  }
0x8d: {  	s2 =	sadd.s32 s2, s14  }
0x8e: {  	[smem:$0x3FBA] =	sst s2  }
0x8f: {  	_ = 	snop  }
0x90: {  	s2 =	sld [smem:$0x3FD0];
	_ =	sdelay $0x2  }
0x91: {  	s15 =	simm.s32 $0xA;
	s4 =	simm.s32 $0x10  }
0x92: {  	[smem:s4], [sflag:s15] =	dma.local [hbm:s2], $0x1  }
0x93: {  	_ =	swait.eq [sflag:s15], $0x1  }
0x94: {  	[sflag:s15] =	ssyncset.done $0x0  }
0x95: {  	[sflag:s15] =	ssyncadd.s32 $0xFFFFFFFF  }
0x96: {  	s16 =	sld [smem:$0x10];
	(tm) =	ssettm $0x1  }
0x97: {  	s17 =	sld [smem:$0x3FFB];
	_ =	sdelay $0x3  }
0x98: {  	_ =	strace s17  }
0x99: {  	s3 =	sld [smem:$0x3FFC];
	_ =	sdelay $0x3  }
0x9a: {  	_ =	strace s3  }
0x9b: {  	s3 =	sld [smem:$0x3FFD];
	_ =	sdelay $0x3  }
0x9c: {  	_ =	strace s3  }
0x9d: {  	_ =	strace $0x8FFFFFFF  }
0x9e: {  	s18 =	sld [smem:$0x3FDB];
	_ =	sdelay $0x1  }
0x9f: {  	s19 =	simm.s32 $_scs_section_size  }
0xa0: {  	s5 =	simm.s32 $_size__tile_overlayer_lowered;
	s6 =	simm.s32 $_tile_overlayer_lowered  }
0xa1: {  	s22 =	simm.s32 $0x1BFF;
	s21 =	sshll.u32 s6, $0x1;
	s3 =	sadd.s32 s19, s18  }
0xa2: {  	s7 =	simm.s32 $0x0;
	s20 =	sshll.u32 s5, $0x1;
	s5 =	sadd.s32 s21, s3  }
0xa3: {  	[timem:s7], [sflag:s22] =	dma.local [hbm:s5], s20  }
0xa4: {  	_ =	swait.ge [sflag:s22], s20  }
0xa5: {  	s4 =	ssub.s32 $0x0, s20;
	[sflag:s22] =	ssyncset.done $0x0  }
0xa6: {  	[sflag:s22] =	ssyncadd.s32 s4;
	_ =	sdelay $0x1  }
0xa7: {  	s23 =	simm.s32 $0x1B8B  }
0xa8: {  	_ =	swait.ge [sflag:s23], $0x1  }
0xa9: {  	[sflag:s23] =	ssyncset.done $0x0  }
0xaa: {  	s25 =	simm.s32 $0x1B8E;
	s24 =	sld [smem:$0x3FFE];
	[sflag:s23] =	ssyncadd.s32 $0xFFFFFFFF  }
0xab: {  	s26 =	simm.s32 $execute0_lowered;
	[smem:$0x3FD2] =	sst s25  }
0xac: {  	s5 =	sshll.u32 s26, $0x1;
	_ =	strace $0x8000004C;
	[dreg:$0x1] =	wrdreg $0xFFFFFFFF  }
0xad: {  	s28 =	simm.s32 $_size_execute0_lowered;
	s3 =	sadd.s32 s3, s5;
	[dreg:$0x0] =	wrdreg $0x0  }
0xae: {  	s5 =	sshll.u32 s28, $0x1;
	[dreg:$0x2] =	wrdreg s3  }
0xaf: {  	[dreg:$0x3] =	wrdreg s5  }
0xb0: {  	[dreg:$0x4] =	wrdreg $0xC0  }
0xb1: {  	_ =	task [dreg:s7], $0x5FFFF  }
0xb2: {  	[dreg:$0x1] =	wrdreg $0xFFFFFFFF  }
0xb3: {  	[dreg:$0x0] =	wrdreg $0x60  }
0xb4: {  	[dreg:$0x2] =	wrdreg s16  }
0xb5: {  	[dreg:$0x3] =	wrdreg s24  }
0xb6: {  	[dreg:$0x4] =	wrdreg $0x9  }
0xb7: {  	_ =	task.clear_ibuf [dreg:s7], $0x5FFFF;
	_ =	strace $0x9000004C  }
0xb8: {  	s29 =	simm.s32 $0x9;
	_ =	strace $0x8000004E  }
0xb9: {  	_ =	swait.ge [sflag:s29], $0x1  }
0xba: {  	[sflag:s29] =	ssyncadd.s32 $0xFFFFFFFF  }
0xbb: {  	_ =	strace $0x9000004E  }
0xbc: {  	_ =	sfence  }
0xbd: {  	s30 =	sld [smem:$0x0];
	_ =	sdelay $0x2  }
0xbe: {  	s31 =	sshll.u32 s1, $0xD;
	s1 =	sshrl.u32 s1, $0x2  }
0xbf: {  	s3 =	sand.u32 $0x4000, s31;
	s1 =	sadd.s32 s1, s30  }
0xc0: {  	s0 =	sor.u32 s3, s0;
	s1 =	sshll.u32 s1, $0x11  }
0xc1: {  	s0 =	sor.u32 s1, s0  }
0xc2: {  	s0 =	sadd.s32 $0x8F2B, s0  }
0xc3: {  	[sflag:s0] =	ssyncadd.remote.s32 $0x1  }
0xc4: {  	_ =	sfence.sel $0xFFFF  }
0xc5: {  	[dreg:$0x0] =	wrdreg $0xFFFFFFFF;
	(pc) =	sbr.abs _section_cstart, $3  }
0xc6: {  	[dreg:$0x1] =	wrdreg $0xFFFFFFFF  }
0xc7: {  	_ =	task.clear_ibuf [dreg:s7], $0x2FFFF;
	_ =	strace $0x9FFFFFFF  }
0xc8: {  	(tm) =	ssettm $0x7FFFFFFF  }
0xc9: {  	_ =	shalt  }
tec
execute0_lowered:
.L_overlay_start_1:
0x0: {  	(tag) =	ssettag $0x1  }
0x1: {  	s1 =	srdreg.scid  }
0x2: {  	s0 =	stileid.u32;
	s6 =	sand.u32 $0x1, s1  }
0x3: {  	s2 =	rddreg [dreg:$0x0];
	s30 =	sshll.u32 s0, $0x8;
	s3 =	sshll.u32 s6, $0x7  }
0x4: {  	s8 =	rddreg [dreg:$0x1];
	s7 =	simm.s32 $0x1;
	s9 =	sor.u32 s3, s30  }
0x5: {  	s1 =	rddreg [dreg:$0x2];
	s3 =	simm.s32 $0x0;
	s4 =	sshrl.u32 s9, $0x3  }
0x6: {  	s10 =	ssub.s32 $0x2, s6;
	[smem:$0x7FF] =	sst s3;
	s4 =	sadd.s32 s4, s8  }
0x7: {  	_ =	strace $0x8000004D;
	s5 =	sadd.s32 $0x15600, s4;
	s4 =	simm.s32 $0x2  }
0x8: {  	[tilespmem:s3], [sflag:$0x2] =	stream.linear.gather [hbm4b:s5+s3], $0x80, $0x38;
	[tilespmem:$0x4080] =	vst v63  }
0x9: {  	s6 =	simm.s32 $0x80;
	s11 =	sshrl.u32 s10, $0x1;
	_ =	swait.ge [sflag:s4], $0x80  }
0xa: {  	s9 =	sshll.u32 s9, $0x4;
	s31 =	ssub.s32 s10, s11;
	[sflag:s4] =	ssyncset.done $0x0  }
0xb: {  	s8 =	sadd.s32 s9, s8;
	s9 =	smax.u32 s31, $0x1;
	[sflag:s4] =	ssyncadd.s32 $0xFFFFFF80  }
0xc: {  	[tilespmem:s6], [sflag:$0x1] =	stream.indirect.gather [hbm4b:s2+s6], $0x80, s3, s6, $0xb8;
	[tilespmem:$0x4080] =	vst v63  }
0xd: {  	p0 =	sne.s32 s9, $0x1;
	_ =	swait.ge [sflag:s7], $0x4000  }
.Ltmp0:
0xe: {  	[sflag:s7] =	ssyncset.done $0x0;
	(pc) =	sbr.rel @!p0 .LBB2_2-.Ltmp0, $4  }
0xf: {  	s8 =	sadd.s32 $0x15800, s8;
	[sflag:s7] =	ssyncadd.s32 $0xFFFFC000  }
0x10: {  	[hbm4b:s8+s3] =	stream.linear.scatter [tilespmem:s6], [sflag:$0x2], $0x4000, $0x38;
	[tilespmem:$0x4080] =	vst v63  }
0x11: {  	_ =	swait.ge [sflag:s4], $0x4000  }
0x12: {  	s9 =	sadd.s32 $0xFFFFFFFF, s9;
	[sflag:s4] =	ssyncset.done $0x0  }
.LBB2_1:
0x13: {  	p0 =	sne.s32 s9, $0x1;
	s9 =	sadd.s32 $0xFFFFFFFF, s9;
	[sflag:s4] =	ssyncadd.s32 $0xFFFFC000  }
0x14: {  	[tilespmem:s3], [sflag:$0x2] =	stream.linear.gather [hbm4b:s5+s3], $0x80, $0x38;
	[tilespmem:$0x4080] =	vst v63  }
0x15: {  	_ =	swait.ge [sflag:s4], $0x80  }
0x16: {  	[sflag:s4] =	ssyncset.done $0x0  }
0x17: {  	[sflag:s4] =	ssyncadd.s32 $0xFFFFFF80  }
0x18: {  	[tilespmem:s6], [sflag:$0x1] =	stream.indirect.gather [hbm4b:s2+s6], $0x80, s3, s6, $0xb8;
	[tilespmem:$0x4080] =	vst v63  }
0x19: {  	_ =	swait.ge [sflag:s7], $0x4000  }
.Ltmp1:
0x1a: {  	[sflag:s7] =	ssyncset.done $0x0;
	(pc) =	sbr.rel @p0 .LBB2_1-.Ltmp1, $4  }
0x1b: {  	[sflag:s7] =	ssyncadd.s32 $0xFFFFC000  }
0x1c: {  	[hbm4b:s8+s3] =	stream.linear.scatter [tilespmem:s6], [sflag:$0x2], $0x4000, $0x38;
	[tilespmem:$0x4080] =	vst v63  }
0x1d: {  	_ =	swait.ge [sflag:s4], $0x4000  }
0x1e: {  	[sflag:s4] =	ssyncset.done $0x0  }
.LBB2_2:
0x1f: {  	[sflag:s4] =	ssyncadd.s32 $0xFFFFC000  }
0x20: {  	_ =	sfence.sel $0x180000  }
0x21: {  	[bflag:$0x0] =	sbarrier.arrive $0xFFFF  }
0x22: {  	p0 =	sne.s32 s0, $0x0;
	_ =	strace $0x9000004D  }
0x23: {  	s0 =	sadd.s32 @!p0 $0x100000, s1;
	[bflag:$0x2] =	sbarrier.arrive $0xFFFF  }
0x24: {  	[sflag:s0] =	ssyncadd.tile.s32 @!p0 $0x1;
	_ =	shalt  }
.Lfunc_end2:
_tile_overlayer_lowered:
.L_overlay_start_2:
0x25: {  	(tag) =	ssettag $0x2  }
0x26: {  	s0 =	rddreg [dreg:$0x0];
	s2 =	stileid.u32  }
0x27: {  	s1 =	rddreg [dreg:$0x1];
	p0 =	sne.s32 s2, $0x0  }
0x28: {  	s3 =	rddreg [dreg:$0x2];
	[bflag:$0x3] =	sbarrier.arrive $0xFFFF;
	s2 =	simm.s32 @!p0 $0x1C02  }
0x29: {  	[timem:s3], [sflag:s2] =	dma.local @!p0 [hbm:s0], s1  }
0x2a: {  	s0 =	simm.s32 @!p0 $0x2  }
0x2b: {  	_ =	swait.ge @!p0 [sflag:s0], s1  }
0x2c: {  	s1 =	ssub.s32 @!p0 $0x0, s1;
	[sflag:s0] =	ssyncset.done @!p0 $0x0  }
0x2d: {  	[sflag:s0] =	ssyncadd.s32 @!p0 s1  }
0x2e: {  	[bflag:$0x3] =	sbarrier.arrive $0xFFFF  }
0x2f: {  	_ =	shalt  }

// kernel: kernel.9.cloned.1.call-start
scs
__scs_entry_jumppad:
0x0: {  	(pc) =	sbr.rel $0x88, $3  }
0x1: {  	(tag) =	ssettag $0x0;
	lr =	simm.s32 $0x1  }
0x2: {  	[smem:$0x3F93] =	sst lr;
	_ =	strace $0xD0000000  }
0x3: {  	_ = 	snop  }
0x4: {  	_ = 	snop  }
0x5: {  	_ = 	snop  }
0x6: {  	_ = 	snop  }
0x7: {  	_ = 	snop  }
__scs_overlays_trampoline_lowered:
0x8: {  	[smem:$0x3FA2] =	sst s0  }
0x9: {  	[smem:$0x3FA3] =	sst s1  }
0xa: {  	[smem:$0x3FA4] =	sst s2  }
0xb: {  	[smem:$0x3FA5] =	sst s3  }
0xc: {  	[smem:$0x3FA6] =	sst s4  }
0xd: {  	[smem:$0x3FA7] =	sst s5  }
0xe: {  	[smem:$0x3FA8] =	sst s6  }
0xf: {  	[smem:$0x3FA9] =	sst s7  }
0x10: {  	[smem:$0x3FAA] =	sst s8  }
0x11: {  	[smem:$0x3FAB] =	sst s9;
	s0 =	simm.s32 @!p0 $0x0  }
0x12: {  	s1 =	sld [smem:$0x3F91];
	s0 =	simm.s32 @p0 $0x1  }
0x13: {  	[smem:$0x3FAC] =	sst s0;
	s0 =	simm.s32 @!p1 $0x0  }
0x14: {  	s2 =	sld [smem:$0x3F90];
	s0 =	simm.s32 @p1 $0x1  }
0x15: {  	[smem:$0x3FAD] =	sst s0;
	s0 =	simm.s32 @!p2 $0x0  }
0x16: {  	s3 =	sld [smem:$0x3FDB];
	s0 =	simm.s32 @p2 $0x1  }
0x17: {  	s4 =	simm.s32 $0x1BF5;
	[smem:$0x3FAF] =	sst s0  }
0x18: {  	s0 =	sld [smem:$0x3F92];
	_ =	swait.ge [sflag:s4], $0x0  }
0x19: {  	s7 =	sld [smem:$0x3F93]  }
0x1a: {  	s8 =	sadd.s32 $0xFFFFE003, lr  }
0x1b: {  	s9 =	sadd.s32 $0xFFFFFEF7, lr;
	s5 =	simm.s32 $0xFFFFFFFF;
	p2 =	slt.u32 s8, $0xFFFFF086  }
0x1c: {  	p1 =	slt.u32 s9, $0xF7A;
	s5 =	simm.s32 @!p2 $0x0  }
0x1d: {  	s5 =	simm.s32 @p1 $0x1;
	p0 =	seq.s32 s7, s2  }
0x1e: {  	s7 =	smul.u32 @!p0 $0xF7A, s2;
	p2 =	seq.s32 @!p0 s5, $0x0  }
0x1f: {  	s9 =	smul.u32 $0xF7A, s1;
	s8 =	simm.s32 @!p0 $0x1BF5;
	p2 =	por !p2, p0  }
0x20: {  	[sflag:s8] =	ssyncset.s32 @!p0 $0xFFFFF086;
	s6 =	sadd.s32 @!p0 s3, s7;
	s7 =	simm.s32 @!p0 $0x108  }
0x21: {  	s3 =	sadd.s32 s3, s9;
	s6 =	sadd.s32 @!p0 $0x88, s6;
	s7 =	simm.s32 @p2 $0x1082  }
0x22: {  	[simem:s7], [sflag:s8] =	dma.local @!p0 [hbm:s6], $0xF7A  }
0x23: {  	s9 =	sor.u32 $0xD0000000, s2;
	s6 =	simm.s32 $0x108;
	_ =	swait.ge @!p0 [sflag:s8], $0x0  }
0x24: {  	s3 =	sadd.s32 $0x88, s3;
	s6 =	simm.s32 @!p1 $0x1082;
	[sflag:s4] =	ssyncset.s32 $0xFFFFF086  }
0x25: {  	[simem:s6], [sflag:s4] =	dma.local [hbm:s3], $0xF7A  }
0x26: {  	[smem:$0x3F93] =	sst s1;
	(tag) =	ssettag s2;
	_ =	strace s9  }
0x27: {  	s1 =	sld [smem:$0x3FA3]  }
0x28: {  	s2 =	sld [smem:$0x3FA4]  }
0x29: {  	s4 =	sld [smem:$0x3FA6]  }
0x2a: {  	p0 =	seq.s32 s5, $0x0;
	s5 =	sld [smem:$0x3FA7]  }
0x2b: {  	s6 =	sld [smem:$0x3FA8]  }
0x2c: {  	s7 =	sld [smem:$0x3FA9]  }
0x2d: {  	s3 =	simm.s32 $0x108;
	s8 =	sld [smem:$0x3FAA]  }
0x2e: {  	s3 =	simm.s32 @!p0 $0x1082;
	s9 =	sld [smem:$0x3FAB]  }
0x2f: {  	lr =	sadd.s32 s0, s3;
	s0 =	sld [smem:$0x3FA2]  }
0x30: {  	s3 =	sld [smem:$0x3FA5]  }
0x31: {  	[smem:$0x3FAE] =	sst s10  }
0x32: {  	s10 =	sld [smem:$0x3FAC];
	_ =	sdelay $0x3  }
0x33: {  	p0 =	seq.s32 s10, $0x1;
	s10 =	sld [smem:$0x3FAE];
	_ =	sdelay $0x3  }
0x34: {  	[smem:$0x3FAE] =	sst s10  }
0x35: {  	s10 =	sld [smem:$0x3FAD];
	_ =	sdelay $0x3  }
0x36: {  	p1 =	seq.s32 s10, $0x1;
	s10 =	sld [smem:$0x3FAE];
	_ =	sdelay $0x3  }
0x37: {  	[smem:$0x3FAE] =	sst s10  }
0x38: {  	s10 =	sld [smem:$0x3FAF]  }
0x39: {  	_ = 	snop;
	(pc) =	sbr.ind lr, $3  }
0x3a: {  	_ = 	snop  }
0x3b: {  	_ = 	snop  }
0x3c: {  	p2 =	seq.s32 s10, $0x1;
	s10 =	sld [smem:$0x3FAE]  }
0x3d: {  	_ =	shalt  }
0x3e: {  	_ =	shalt  }
0x3f: {  	_ =	shalt  }
0x40: {  	_ =	shalt  }
0x41: {  	_ =	shalt  }
0x42: {  	_ =	shalt  }
0x43: {  	_ =	shalt  }
0x44: {  	_ =	shalt  }
0x45: {  	_ =	shalt  }
0x46: {  	_ =	shalt  }
0x47: {  	_ =	shalt  }
0x48: {  	_ =	shalt  }
0x49: {  	_ =	shalt  }
0x4a: {  	_ =	shalt  }
0x4b: {  	_ =	shalt  }
0x4c: {  	_ =	shalt  }
0x4d: {  	_ =	shalt  }
0x4e: {  	_ =	shalt  }
0x4f: {  	_ =	shalt  }
0x50: {  	_ =	shalt  }
0x51: {  	_ =	shalt  }
0x52: {  	_ =	shalt  }
0x53: {  	_ =	shalt  }
0x54: {  	_ =	shalt  }
0x55: {  	_ =	shalt  }
0x56: {  	_ =	shalt  }
0x57: {  	_ =	shalt  }
0x58: {  	_ =	shalt  }
0x59: {  	_ =	shalt  }
0x5a: {  	_ =	shalt  }
0x5b: {  	_ =	shalt  }
0x5c: {  	_ =	shalt  }
0x5d: {  	_ =	shalt  }
0x5e: {  	_ =	shalt  }
0x5f: {  	_ =	shalt  }
0x60: {  	_ =	shalt  }
0x61: {  	_ =	shalt  }
0x62: {  	_ =	shalt  }
0x63: {  	_ =	shalt  }
0x64: {  	_ =	shalt  }
0x65: {  	_ =	shalt  }
0x66: {  	_ =	shalt  }
0x67: {  	_ =	shalt  }
0x68: {  	_ =	shalt  }
0x69: {  	_ =	shalt  }
0x6a: {  	_ =	shalt  }
0x6b: {  	_ =	shalt  }
0x6c: {  	_ =	shalt  }
0x6d: {  	_ =	shalt  }
0x6e: {  	_ =	shalt  }
0x6f: {  	_ =	shalt  }
0x70: {  	_ =	shalt  }
0x71: {  	_ =	shalt  }
0x72: {  	_ =	shalt  }
0x73: {  	_ =	shalt  }
0x74: {  	_ =	shalt  }
0x75: {  	_ =	shalt  }
0x76: {  	_ =	shalt  }
0x77: {  	_ =	shalt  }
0x78: {  	_ =	shalt  }
0x79: {  	_ =	shalt  }
0x7a: {  	_ =	shalt  }
0x7b: {  	_ =	shalt  }
0x7c: {  	_ =	shalt  }
0x7d: {  	_ =	shalt  }
0x7e: {  	_ =	shalt  }
0x7f: {  	_ =	shalt  }
0x80: {  	_ =	shalt  }
0x81: {  	_ =	shalt  }
0x82: {  	_ =	shalt  }
0x83: {  	_ =	shalt  }
0x84: {  	_ =	shalt  }
0x85: {  	_ =	shalt  }
0x86: {  	_ =	shalt  }
0x87: {  	_ =	shalt  }
.Lfunc_end0:
.L_simem_size_0:
called_computation_lowered:
.L_overlay_start_0:
0x88: {  	s2 =	sld [smem:$0x3FD9]  }
0x89: {  	s3 =	sld [smem:$0x3FFE];
	_ =	sdelay $0x1  }
0x8a: {  	s1 =	srdreg.scid  }
0x8b: {  	s0 =	sand.u32 $0x1, s1  }
0x8c: {  	s14 =	sshll.u32 s0, $0xA;
	s2 =	sadd.s32 s3, s2  }
0x8d: {  	s2 =	sadd.s32 s2, s14  }
0x8e: {  	[smem:$0x3FBA] =	sst s2  }
0x8f: {  	_ = 	snop  }
0x90: {  	s2 =	sld [smem:$0x3FD0];
	_ =	sdelay $0x2  }
0x91: {  	s15 =	simm.s32 $0xA;
	s4 =	simm.s32 $0x10  }
0x92: {  	[smem:s4], [sflag:s15] =	dma.local [hbm:s2], $0x1  }
0x93: {  	_ =	swait.eq [sflag:s15], $0x1  }
0x94: {  	[sflag:s15] =	ssyncset.done $0x0  }
0x95: {  	[sflag:s15] =	ssyncadd.s32 $0xFFFFFFFF  }
0x96: {  	s16 =	sld [smem:$0x11];
	(tm) =	ssettm $0x1  }
0x97: {  	s17 =	sld [smem:$0x3FFB];
	_ =	sdelay $0x3  }
0x98: {  	_ =	strace s17  }
0x99: {  	s3 =	sld [smem:$0x3FFC];
	_ =	sdelay $0x3  }
0x9a: {  	_ =	strace s3  }
0x9b: {  	s3 =	sld [smem:$0x3FFD];
	_ =	sdelay $0x3  }
0x9c: {  	_ =	strace s3  }
0x9d: {  	_ =	strace $0x8FFFFFFF  }
0x9e: {  	s18 =	sld [smem:$0x3FDB];
	_ =	sdelay $0x1  }
0x9f: {  	s19 =	simm.s32 $_scs_section_size  }
0xa0: {  	s5 =	simm.s32 $_size__tile_overlayer_lowered;
	s6 =	simm.s32 $_tile_overlayer_lowered  }
0xa1: {  	s22 =	simm.s32 $0x1BFF;
	s21 =	sshll.u32 s6, $0x1;
	s3 =	sadd.s32 s19, s18  }
0xa2: {  	s7 =	simm.s32 $0x0;
	s20 =	sshll.u32 s5, $0x1;
	s5 =	sadd.s32 s21, s3  }
0xa3: {  	[timem:s7], [sflag:s22] =	dma.local [hbm:s5], s20  }
0xa4: {  	_ =	swait.ge [sflag:s22], s20  }
0xa5: {  	s4 =	ssub.s32 $0x0, s20;
	[sflag:s22] =	ssyncset.done $0x0  }
0xa6: {  	[sflag:s22] =	ssyncadd.s32 s4;
	_ =	sdelay $0x1  }
0xa7: {  	s23 =	simm.s32 $0x1B8B  }
0xa8: {  	_ =	swait.ge [sflag:s23], $0x1  }
0xa9: {  	[sflag:s23] =	ssyncset.done $0x0  }
0xaa: {  	s25 =	simm.s32 $0x1B8E;
	s24 =	sld [smem:$0x3FFE];
	[sflag:s23] =	ssyncadd.s32 $0xFFFFFFFF  }
0xab: {  	s26 =	simm.s32 $execute0_lowered;
	[smem:$0x3FD2] =	sst s25  }
0xac: {  	s5 =	sshll.u32 s26, $0x1;
	_ =	strace $0x80000046;
	[dreg:$0x1] =	wrdreg $0xFFFFFFFF  }
0xad: {  	s28 =	simm.s32 $_size_execute0_lowered;
	s3 =	sadd.s32 s3, s5;
	[dreg:$0x0] =	wrdreg $0x0  }
0xae: {  	s5 =	sshll.u32 s28, $0x1;
	[dreg:$0x2] =	wrdreg s3  }
0xaf: {  	[dreg:$0x3] =	wrdreg s5  }
0xb0: {  	[dreg:$0x4] =	wrdreg $0xC0  }
0xb1: {  	_ =	task [dreg:s7], $0x5FFFF  }
0xb2: {  	[dreg:$0x1] =	wrdreg $0xFFFFFFFF  }
0xb3: {  	[dreg:$0x0] =	wrdreg $0x60  }
0xb4: {  	[dreg:$0x2] =	wrdreg s24  }
0xb5: {  	[dreg:$0x3] =	wrdreg s16  }
0xb6: {  	[dreg:$0x4] =	wrdreg $0x9  }
0xb7: {  	_ =	task.clear_ibuf [dreg:s7], $0x5FFFF;
	_ =	strace $0x90000046  }
0xb8: {  	s29 =	simm.s32 $0x9;
	_ =	strace $0x80000048  }
0xb9: {  	_ =	swait.ge [sflag:s29], $0x1  }
0xba: {  	[sflag:s29] =	ssyncadd.s32 $0xFFFFFFFF  }
0xbb: {  	_ =	strace $0x90000048  }
0xbc: {  	_ =	sfence  }
0xbd: {  	s30 =	sld [smem:$0x0];
	_ =	sdelay $0x2  }
0xbe: {  	s31 =	sshll.u32 s1, $0xD;
	s1 =	sshrl.u32 s1, $0x2  }
0xbf: {  	s3 =	sand.u32 $0x4000, s31;
	s1 =	sadd.s32 s1, s30  }
0xc0: {  	s0 =	sor.u32 s3, s0;
	s1 =	sshll.u32 s1, $0x11  }
0xc1: {  	s0 =	sor.u32 s1, s0  }
0xc2: {  	s0 =	sadd.s32 $0x8F2B, s0  }
0xc3: {  	[sflag:s0] =	ssyncadd.remote.s32 $0x1  }
0xc4: {  	_ =	sfence.sel $0xFFFF  }
0xc5: {  	[dreg:$0x0] =	wrdreg $0xFFFFFFFF;
	(pc) =	sbr.abs _section_cstart, $3  }
0xc6: {  	[dreg:$0x1] =	wrdreg $0xFFFFFFFF  }
0xc7: {  	_ =	task.clear_ibuf [dreg:s7], $0x2FFFF;
	_ =	strace $0x9FFFFFFF  }
0xc8: {  	(tm) =	ssettm $0x7FFFFFFF  }
0xc9: {  	_ =	shalt  }
tec
execute0_lowered:
.L_overlay_start_1:
0x0: {  	(tag) =	ssettag $0x1  }
0x1: {  	s1 =	srdreg.scid  }
0x2: {  	s8 =	rddreg [dreg:$0x0];
	s0 =	stileid.u32  }
0x3: {  	s3 =	rddreg [dreg:$0x1];
	s2 =	simm.s32 $0x0;
	s6 =	sand.u32 $0x1, s1  }
0x4: {  	s4 =	sshll.u32 s0, $0x8;
	s1 =	rddreg [dreg:$0x2];
	s5 =	sshll.u32 s6, $0x7  }
0x5: {  	s7 =	simm.s32 $0x1;
	[smem:$0x7FF] =	sst s2;
	s9 =	sor.u32 s5, s4  }
0x6: {  	_ =	strace $0x80000047;
	s10 =	ssub.s32 $0x2, s6;
	s4 =	sshrl.u32 s9, $0x3  }
0x7: {  	s6 =	simm.s32 $0x80;
	s4 =	sadd.s32 s3, s4;
	s3 =	simm.s32 $0x2  }
0x8: {  	[tilespmem:s2], [sflag:$0x2] =	stream.linear.gather [hbm4b:s4+s2], $0x80, $0x38;
	[tilespmem:$0x4080] =	vst v63  }
0x9: {  	s5 =	sadd.s32 $0x5400, s8;
	s11 =	sshrl.u32 s10, $0x1;
	_ =	swait.ge [sflag:s3], $0x80  }
0xa: {  	s9 =	sshll.u32 s9, $0x4;
	s31 =	ssub.s32 s10, s11;
	[sflag:s3] =	ssyncset.done $0x0  }
0xb: {  	s8 =	sadd.s32 s9, s8;
	s9 =	smax.u32 s31, $0x1;
	[sflag:s3] =	ssyncadd.s32 $0xFFFFFF80  }
0xc: {  	[tilespmem:s6], [sflag:$0x1] =	stream.indirect.gather [hbm4b:s5+s6], $0x80, s2, s6, $0xb8;
	[tilespmem:$0x4080] =	vst v63  }
0xd: {  	p0 =	sne.s32 s9, $0x1;
	_ =	swait.ge [sflag:s7], $0x4000  }
.Ltmp0:
0xe: {  	[sflag:s7] =	ssyncset.done $0x0;
	(pc) =	sbr.rel @!p0 .LBB2_2-.Ltmp0, $4  }
0xf: {  	s8 =	sadd.s32 $0x3C000, s8;
	[sflag:s7] =	ssyncadd.s32 $0xFFFFC000  }
0x10: {  	[hbm4b:s8+s2] =	stream.linear.scatter [tilespmem:s6], [sflag:$0x2], $0x4000, $0x38;
	[tilespmem:$0x4080] =	vst v63  }
0x11: {  	_ =	swait.ge [sflag:s3], $0x4000  }
0x12: {  	s9 =	sadd.s32 $0xFFFFFFFF, s9;
	[sflag:s3] =	ssyncset.done $0x0  }
.LBB2_1:
0x13: {  	p0 =	sne.s32 s9, $0x1;
	s9 =	sadd.s32 $0xFFFFFFFF, s9;
	[sflag:s3] =	ssyncadd.s32 $0xFFFFC000  }
0x14: {  	[tilespmem:s2], [sflag:$0x2] =	stream.linear.gather [hbm4b:s4+s2], $0x80, $0x38;
	[tilespmem:$0x4080] =	vst v63  }
0x15: {  	_ =	swait.ge [sflag:s3], $0x80  }
0x16: {  	[sflag:s3] =	ssyncset.done $0x0  }
0x17: {  	[sflag:s3] =	ssyncadd.s32 $0xFFFFFF80  }
0x18: {  	[tilespmem:s6], [sflag:$0x1] =	stream.indirect.gather [hbm4b:s5+s6], $0x80, s2, s6, $0xb8;
	[tilespmem:$0x4080] =	vst v63  }
0x19: {  	_ =	swait.ge [sflag:s7], $0x4000  }
.Ltmp1:
0x1a: {  	[sflag:s7] =	ssyncset.done $0x0;
	(pc) =	sbr.rel @p0 .LBB2_1-.Ltmp1, $4  }
0x1b: {  	[sflag:s7] =	ssyncadd.s32 $0xFFFFC000  }
0x1c: {  	[hbm4b:s8+s2] =	stream.linear.scatter [tilespmem:s6], [sflag:$0x2], $0x4000, $0x38;
	[tilespmem:$0x4080] =	vst v63  }
0x1d: {  	_ =	swait.ge [sflag:s3], $0x4000  }
0x1e: {  	[sflag:s3] =	ssyncset.done $0x0  }
.LBB2_2:
0x1f: {  	[sflag:s3] =	ssyncadd.s32 $0xFFFFC000  }
0x20: {  	_ =	sfence.sel $0x180000  }
0x21: {  	[bflag:$0x0] =	sbarrier.arrive $0xFFFF  }
0x22: {  	p0 =	sne.s32 s0, $0x0;
	_ =	strace $0x90000047  }
0x23: {  	s0 =	sadd.s32 @!p0 $0x100000, s1;
	[bflag:$0x2] =	sbarrier.arrive $0xFFFF  }
0x24: {  	[sflag:s0] =	ssyncadd.tile.s32 @!p0 $0x1;
	_ =	shalt  }
.Lfunc_end2:
_tile_overlayer_lowered:
.L_overlay_start_2:
0x25: {  	(tag) =	ssettag $0x2  }
0x26: {  	s0 =	rddreg [dreg:$0x0];
	s2 =	stileid.u32  }
0x27: {  	s1 =	rddreg [dreg:$0x1];
	p0 =	sne.s32 s2, $0x0  }
0x28: {  	s3 =	rddreg [dreg:$0x2];
	[bflag:$0x3] =	sbarrier.arrive $0xFFFF;
	s2 =	simm.s32 @!p0 $0x1C02  }
0x29: {  	[timem:s3], [sflag:s2] =	dma.local @!p0 [hbm:s0], s1  }
0x2a: {  	s0 =	simm.s32 @!p0 $0x2  }
0x2b: {  	_ =	swait.ge @!p0 [sflag:s0], s1  }
0x2c: {  	s1 =	ssub.s32 @!p0 $0x0, s1;
	[sflag:s0] =	ssyncset.done @!p0 $0x0  }
0x2d: {  	[sflag:s0] =	ssyncadd.s32 @!p0 s1  }
0x2e: {  	[bflag:$0x3] =	sbarrier.arrive $0xFFFF  }
0x2f: {  	_ =	shalt  }

</sc_bundles>
